<compile_context>
chip_gen: v7x
topology: tpu7x:2x2x1
jax: 0.10.2.dev20260603
libtpu: 0.0.44.dev20260713+nightly
codegen_flags: <defaults>
</compile_context>

<pallas_src>
import functools

import jax
import jax.numpy as jnp
from jax import lax
from jax.experimental import pallas as pl
from jax.experimental.pallas import tpu as pltpu
from jax.experimental.pallas import tpu_sc as plsc

_NC = 2
_NS = 16
_NW = _NC * _NS

_N = 16384 * 200
_PER_W = _N // _NW
_CHUNK = 10240
_NCHUNK = _PER_W // _CHUNK
_B = 3

_V = 1000000
_NST = 6
_STMAIN = _NST * _NS * _CHUNK
_VTAIL = (_V - _STMAIN) // 8


def _sc_gather(table, idx_flat):
    mesh = plsc.VectorSubcoreMesh(core_axis_name="c", subcore_axis_name="s")

    scratch = (
        [pltpu.VMEM_SHARED((_V,), jnp.int32)]
        + [pltpu.VMEM((_CHUNK,), jnp.int32) for _ in range(2 * _B)]
        + [pltpu.SemaphoreType.DMA for _ in range(3 * _B + 3)]
    )

    @functools.partial(
        pl.kernel,
        mesh=mesh,
        out_type=jax.ShapeDtypeStruct((_N,), jnp.int32),
        scratch_types=scratch,
    )
    def k(table_hbm, idx_hbm, out_hbm, tab_s, *refs):
        idx_v = refs[0:_B]
        val_v = refs[_B:2 * _B]
        s_in = refs[2 * _B:3 * _B]
        s_g = refs[3 * _B:4 * _B]
        s_o = refs[4 * _B:5 * _B]
        s_sta = refs[5 * _B]
        s_stb = refs[5 * _B + 1]
        s_stc = refs[5 * _B + 2]

        cid = lax.axis_index("c")
        sid = lax.axis_index("s")
        wid = sid * _NC + cid
        base = wid * _PER_W

        def off(i):
            return base + i * _CHUNK

        in_d = [None] * _NCHUNK
        g_d = [None] * _NCHUNK
        o_d = [None] * _NCHUNK

        for i in range(min(_B, _NCHUNK)):
            in_d[i] = pltpu.async_copy(
                idx_hbm.at[pl.ds(off(i), _CHUNK)], idx_v[i % _B], s_in[i % _B])

        bounce = (val_v[0], val_v[1], val_v[2])
        s_bin = (s_g[0], s_g[1], s_g[2])
        s_bout = (s_sta, s_stb, s_stc)

        def st_off(t):
            return (t * _NS + sid) * _CHUNK

        st_in = [None] * _NST
        st_out = [None] * _NST
        for t in range(3):
            st_in[t] = pltpu.async_copy(
                table_hbm.at[pl.ds(st_off(t), _CHUNK)], bounce[t], s_bin[t])
        for t in range(_NST):
            b = t % 3
            st_in[t].wait()
            st_out[t] = pltpu.async_copy(
                bounce[b], tab_s.at[pl.ds(st_off(t), _CHUNK)], s_bout[b])
            if t + 3 < _NST:
                st_out[t].wait()
                st_in[t + 3] = pltpu.async_copy(
                    table_hbm.at[pl.ds(st_off(t + 3), _CHUNK)], bounce[b],
                    s_bin[b])
        for t in range(_NST - 3, _NST):
            st_out[t].wait()

        @pl.when(sid < 8)
        def _tail():
            toff = _STMAIN + sid * _VTAIL
            pltpu.async_copy(
                table_hbm.at[pl.ds(toff, _VTAIL)],
                bounce[0].at[pl.ds(0, _VTAIL)], s_bin[0]).wait()
            pltpu.async_copy(
                bounce[0].at[pl.ds(0, _VTAIL)],
                tab_s.at[pl.ds(toff, _VTAIL)], s_bout[0]).wait()

        plsc.subcore_barrier()

        for j in range(2):
            in_d[j].wait()
            g_d[j] = pltpu.async_copy(tab_s.at[idx_v[j]], val_v[j], s_g[j])
        for i in range(_NCHUNK):
            b = i % _B
            if i + 2 < _NCHUNK:
                nb = (i + 2) % _B
                in_d[i + 2].wait()
                if i + 2 >= _B:
                    o_d[i + 2 - _B].wait()
                g_d[i + 2] = pltpu.async_copy(
                    tab_s.at[idx_v[nb]], val_v[nb], s_g[nb])
            g_d[i].wait()
            o_d[i] = pltpu.async_copy(
                val_v[b], out_hbm.at[pl.ds(off(i), _CHUNK)], s_o[b])
            if i + _B < _NCHUNK:
                in_d[i + _B] = pltpu.async_copy(
                    idx_hbm.at[pl.ds(off(i + _B), _CHUNK)], idx_v[b], s_in[b])

        for i in range(max(0, _NCHUNK - _B), _NCHUNK):
            o_d[i].wait()

    return k(table, idx_flat)


def kernel(inputs, table):
    raw = (inputs.T.reshape(25, 8, 128, 128)
           .transpose(0, 2, 1, 3).reshape(-1))
    out_raw = _sc_gather(table, raw)
    out_t = (out_raw.reshape(25, 128, 8, 128)
             .transpose(0, 2, 1, 3).reshape(200, 16384))
    return out_t.T

# --- scband reference (transcript-rebuilt; emitter-appended) ---
"""Pipeline reference for scband-vocabulary-file-index-layer-47193100648747 (READ-ONLY COPY).

The authoritative reference and input builder live on the scoring server;
editing this copy changes nothing except your own understanding.
"""

import jax, jax.numpy as jnp
import numpy as np

VOCAB_KEYS = 1000000       # total key space (simulated string-hash keys)
KNOWN_VOCAB = 900000       # keys found in the vocabulary file -> ids [0, KNOWN_VOCAB)
NUM_OOV_BUCKETS = 1000     # OOV keys hashed into [KNOWN_VOCAB, KNOWN_VOCAB + NUM_OOV_BUCKETS)


def _build_table():
    # Simulates tf.lookup index_table_from_file: known keys map to their vocab row,
    # unknown keys are deterministically hashed into one of num_oov_buckets buckets.
    keys = jnp.arange(VOCAB_KEYS, dtype=jnp.int64)
    table = jnp.where(keys < KNOWN_VOCAB, keys, KNOWN_VOCAB + (keys % NUM_OOV_BUCKETS))
    return table.astype(jnp.int64)


def setup_inputs(seed: int = 0) -> dict:
    key = jax.random.key(seed)
    inputs = jax.random.randint(key, (16384, 200), 0, VOCAB_KEYS, dtype=jnp.int64)
    table = _build_table()
    return {"inputs": inputs, "table": table}


def reference(inputs, table):
    # Faithful translation of self.table.lookup(inputs): a pure gather from the
    # key->index table (SparseCore-mappable gather).
    return jnp.take(table, inputs, axis=0)

if __name__ == "__main__":
    import jax
    _d = setup_inputs()
    print(jax.jit(kernel)(*tuple(_d.values())))

</pallas_src>

<mosaic_0001>
#map = affine_map<(d0, d1) -> (0)>
module attributes {stable_mosaic.version = 14 : i64} {
  func.func @k(%arg0: i32, %arg1: i32, %arg2: memref<1000000xi32, #tpu.memory_space<hbm>>, %arg3: memref<3276800xi32, #tpu.memory_space<hbm>>, %arg4: memref<3276800xi32, #tpu.memory_space<hbm>>, %arg5: memref<1000000xi32, #tpu.memory_space<vmem_shared>>, %arg6: memref<10240xi32, #tpu.memory_space<vmem>>, %arg7: memref<10240xi32, #tpu.memory_space<vmem>>, %arg8: memref<10240xi32, #tpu.memory_space<vmem>>, %arg9: memref<10240xi32, #tpu.memory_space<vmem>>, %arg10: memref<10240xi32, #tpu.memory_space<vmem>>, %arg11: memref<10240xi32, #tpu.memory_space<vmem>>, %arg12: memref<!tpu.dma_semaphore, #tpu.memory_space<semaphore_mem>>, %arg13: memref<!tpu.dma_semaphore, #tpu.memory_space<semaphore_mem>>, %arg14: memref<!tpu.dma_semaphore, #tpu.memory_space<semaphore_mem>>, %arg15: memref<!tpu.dma_semaphore, #tpu.memory_space<semaphore_mem>>, %arg16: memref<!tpu.dma_semaphore, #tpu.memory_space<semaphore_mem>>, %arg17: memref<!tpu.dma_semaphore, #tpu.memory_space<semaphore_mem>>, %arg18: memref<!tpu.dma_semaphore, #tpu.memory_space<semaphore_mem>>, %arg19: memref<!tpu.dma_semaphore, #tpu.memory_space<semaphore_mem>>, %arg20: memref<!tpu.dma_semaphore, #tpu.memory_space<semaphore_mem>>, %arg21: memref<!tpu.dma_semaphore, #tpu.memory_space<semaphore_mem>>, %arg22: memref<!tpu.dma_semaphore, #tpu.memory_space<semaphore_mem>>, %arg23: memref<!tpu.dma_semaphore, #tpu.memory_space<semaphore_mem>>) attributes {dimension_semantics = [#tpu.dimension_semantics<core_parallel>, #tpu.dimension_semantics<subcore_parallel>], iteration_bounds = array<i64: 2, 16>, scalar_prefetch = 0 : i64, scratch_operands = 19 : i64, tpu.core_type = #tpu.core_type<sc_vector_subcore>, window_params = [{transform_indices = #map}, {transform_indices = #map}, {transform_indices = #map}]} {
    %mul3A = arith.constant 2 : i32
    %mul3A_0 = arith.muli %arg1, %mul3A : i32
    %add3A = arith.addi %mul3A_0, %arg0 : i32
    %mul3A_1 = arith.constant 102400 : i32
    %mul3A_2 = arith.muli %add3A, %mul3A_1 : i32
    %add3A_3 = arith.constant 0 : i32
    %add3A_4 = arith.addi %mul3A_2, %add3A_3 : i32
    %dma_start3A = tpu.memref_slice %arg3[%add3A_4] : memref<3276800xi32, #tpu.memory_space<hbm>> -> memref<10240xi32, #tpu.memory_space<hbm>>
    %dma_start3A_5 = tpu.memref_slice %arg3[%add3A_4] : memref<3276800xi32, #tpu.memory_space<hbm>> -> memref<10240xi32, #tpu.memory_space<hbm>>
    tpu.enqueue_dma source(%dma_start3A_5 : memref<10240xi32, #tpu.memory_space<hbm>>) target(%arg6 : memref<10240xi32, #tpu.memory_space<vmem>>) target_semaphore(%arg12 : memref<!tpu.dma_semaphore, #tpu.memory_space<semaphore_mem>>)
    %add3A_6 = arith.constant 10240 : i32
    %add3A_7 = arith.addi %mul3A_2, %add3A_6 : i32
    %dma_start3A_8 = tpu.memref_slice %arg3[%add3A_7] : memref<3276800xi32, #tpu.memory_space<hbm>> -> memref<10240xi32, #tpu.memory_space<hbm>>
    %dma_start3A_9 = tpu.memref_slice %arg3[%add3A_7] : memref<3276800xi32, #tpu.memory_space<hbm>> -> memref<10240xi32, #tpu.memory_space<hbm>>
    tpu.enqueue_dma source(%dma_start3A_9 : memref<10240xi32, #tpu.memory_space<hbm>>) target(%arg7 : memref<10240xi32, #tpu.memory_space<vmem>>) target_semaphore(%arg13 : memref<!tpu.dma_semaphore, #tpu.memory_space<semaphore_mem>>)
    %add3A_10 = arith.constant 20480 : i32
    %add3A_11 = arith.addi %mul3A_2, %add3A_10 : i32
    %dma_start3A_12 = tpu.memref_slice %arg3[%add3A_11] : memref<3276800xi32, #tpu.memory_space<hbm>> -> memref<10240xi32, #tpu.memory_space<hbm>>
    %dma_start3A_13 = tpu.memref_slice %arg3[%add3A_11] : memref<3276800xi32, #tpu.memory_space<hbm>> -> memref<10240xi32, #tpu.memory_space<hbm>>
    tpu.enqueue_dma source(%dma_start3A_13 : memref<10240xi32, #tpu.memory_space<hbm>>) target(%arg8 : memref<10240xi32, #tpu.memory_space<vmem>>) target_semaphore(%arg14 : memref<!tpu.dma_semaphore, #tpu.memory_space<semaphore_mem>>)
    %add3A_14 = arith.constant 0 : i32
    %add3A_15 = arith.addi %add3A_14, %arg1 : i32
    %mul3A_16 = arith.constant 10240 : i32
    %mul3A_17 = arith.muli %add3A_15, %mul3A_16 : i32
    %dma_start3A_18 = tpu.memref_slice %arg2[%mul3A_17] : memref<1000000xi32, #tpu.memory_space<hbm>> -> memref<10240xi32, #tpu.memory_space<hbm>>
    %dma_start3A_19 = tpu.memref_slice %arg2[%mul3A_17] : memref<1000000xi32, #tpu.memory_space<hbm>> -> memref<10240xi32, #tpu.memory_space<hbm>>
    tpu.enqueue_dma source(%dma_start3A_19 : memref<10240xi32, #tpu.memory_space<hbm>>) target(%arg9 : memref<10240xi32, #tpu.memory_space<vmem>>) target_semaphore(%arg15 : memref<!tpu.dma_semaphore, #tpu.memory_space<semaphore_mem>>)
    %add3A_20 = arith.constant 16 : i32
    %add3A_21 = arith.addi %add3A_20, %arg1 : i32
    %mul3A_22 = arith.constant 10240 : i32
    %mul3A_23 = arith.muli %add3A_21, %mul3A_22 : i32
    %dma_start3A_24 = tpu.memref_slice %arg2[%mul3A_23] : memref<1000000xi32, #tpu.memory_space<hbm>> -> memref<10240xi32, #tpu.memory_space<hbm>>
    %dma_start3A_25 = tpu.memref_slice %arg2[%mul3A_23] : memref<1000000xi32, #tpu.memory_space<hbm>> -> memref<10240xi32, #tpu.memory_space<hbm>>
    tpu.enqueue_dma source(%dma_start3A_25 : memref<10240xi32, #tpu.memory_space<hbm>>) target(%arg10 : memref<10240xi32, #tpu.memory_space<vmem>>) target_semaphore(%arg16 : memref<!tpu.dma_semaphore, #tpu.memory_space<semaphore_mem>>)
    %add3A_26 = arith.constant 32 : i32
    %add3A_27 = arith.addi %add3A_26, %arg1 : i32
    %mul3A_28 = arith.constant 10240 : i32
    %mul3A_29 = arith.muli %add3A_27, %mul3A_28 : i32
    %dma_start3A_30 = tpu.memref_slice %arg2[%mul3A_29] : memref<1000000xi32, #tpu.memory_space<hbm>> -> memref<10240xi32, #tpu.memory_space<hbm>>
    %dma_start3A_31 = tpu.memref_slice %arg2[%mul3A_29] : memref<1000000xi32, #tpu.memory_space<hbm>> -> memref<10240xi32, #tpu.memory_space<hbm>>
    tpu.enqueue_dma source(%dma_start3A_31 : memref<10240xi32, #tpu.memory_space<hbm>>) target(%arg11 : memref<10240xi32, #tpu.memory_space<vmem>>) target_semaphore(%arg17 : memref<!tpu.dma_semaphore, #tpu.memory_space<semaphore_mem>>)
    %dma_wait3A = tpu.memref_slice %arg2[%mul3A_17] : memref<1000000xi32, #tpu.memory_space<hbm>> -> memref<10240xi32, #tpu.memory_space<hbm>>
    %dma_wait3A_32 = tpu.memref_slice %arg2[%mul3A_17] : memref<1000000xi32, #tpu.memory_space<hbm>> -> memref<10240xi32, #tpu.memory_space<hbm>>
    tpu.wait_dma2 semaphore(%arg15 : memref<!tpu.dma_semaphore, #tpu.memory_space<semaphore_mem>>) src(%dma_wait3A_32 : memref<10240xi32, #tpu.memory_space<hbm>>) dst(%arg9 : memref<10240xi32, #tpu.memory_space<vmem>>)
    %add3A_33 = arith.constant 0 : i32
    %add3A_34 = arith.addi %add3A_33, %arg1 : i32
    %mul3A_35 = arith.constant 10240 : i32
    %mul3A_36 = arith.muli %add3A_34, %mul3A_35 : i32
    %dma_start3A_37 = tpu.memref_slice %arg5[%mul3A_36] : memref<1000000xi32, #tpu.memory_space<vmem_shared>> -> memref<10240xi32, #tpu.memory_space<vmem_shared>>
    %dma_start3A_38 = tpu.memref_slice %arg5[%mul3A_36] : memref<1000000xi32, #tpu.memory_space<vmem_shared>> -> memref<10240xi32, #tpu.memory_space<vmem_shared>>
    tpu.enqueue_dma source(%arg9 : memref<10240xi32, #tpu.memory_space<vmem>>) target(%dma_start3A_38 : memref<10240xi32, #tpu.memory_space<vmem_shared>>) target_semaphore(%arg21 : memref<!tpu.dma_semaphore, #tpu.memory_space<semaphore_mem>>)
    %dma_wait3A_39 = tpu.memref_slice %arg5[%mul3A_36] : memref<1000000xi32, #tpu.memory_space<vmem_shared>> -> memref<10240xi32, #tpu.memory_space<vmem_shared>>
    %dma_wait3A_40 = tpu.memref_slice %arg5[%mul3A_36] : memref<1000000xi32, #tpu.memory_space<vmem_shared>> -> memref<10240xi32, #tpu.memory_space<vmem_shared>>
    tpu.wait_dma2 semaphore(%arg21 : memref<!tpu.dma_semaphore, #tpu.memory_space<semaphore_mem>>) src(%arg9 : memref<10240xi32, #tpu.memory_space<vmem>>) dst(%dma_wait3A_40 : memref<10240xi32, #tpu.memory_space<vmem_shared>>)
    %add3A_41 = arith.constant 48 : i32
    %add3A_42 = arith.addi %add3A_41, %arg1 : i32
    %mul3A_43 = arith.constant 10240 : i32
    %mul3A_44 = arith.muli %add3A_42, %mul3A_43 : i32
    %dma_start3A_45 = tpu.memref_slice %arg2[%mul3A_44] : memref<1000000xi32, #tpu.memory_space<hbm>> -> memref<10240xi32, #tpu.memory_space<hbm>>
    %dma_start3A_46 = tpu.memref_slice %arg2[%mul3A_44] : memref<1000000xi32, #tpu.memory_space<hbm>> -> memref<10240xi32, #tpu.memory_space<hbm>>
    tpu.enqueue_dma source(%dma_start3A_46 : memref<10240xi32, #tpu.memory_space<hbm>>) target(%arg9 : memref<10240xi32, #tpu.memory_space<vmem>>) target_semaphore(%arg15 : memref<!tpu.dma_semaphore, #tpu.memory_space<semaphore_mem>>)
    %dma_wait3A_47 = tpu.memref_slice %arg2[%mul3A_23] : memref<1000000xi32, #tpu.memory_space<hbm>> -> memref<10240xi32, #tpu.memory_space<hbm>>
    %dma_wait3A_48 = tpu.memref_slice %arg2[%mul3A_23] : memref<1000000xi32, #tpu.memory_space<hbm>> -> memref<10240xi32, #tpu.memory_space<hbm>>
    tpu.wait_dma2 semaphore(%arg16 : memref<!tpu.dma_semaphore, #tpu.memory_space<semaphore_mem>>) src(%dma_wait3A_48 : memref<10240xi32, #tpu.memory_space<hbm>>) dst(%arg10 : memref<10240xi32, #tpu.memory_space<vmem>>)
    %add3A_49 = arith.constant 16 : i32
    %add3A_50 = arith.addi %add3A_49, %arg1 : i32
    %mul3A_51 = arith.constant 10240 : i32
    %mul3A_52 = arith.muli %add3A_50, %mul3A_51 : i32
    %dma_start3A_53 = tpu.memref_slice %arg5[%mul3A_52] : memref<1000000xi32, #tpu.memory_space<vmem_shared>> -> memref<10240xi32, #tpu.memory_space<vmem_shared>>
    %dma_start3A_54 = tpu.memref_slice %arg5[%mul3A_52] : memref<1000000xi32, #tpu.memory_space<vmem_shared>> -> memref<10240xi32, #tpu.memory_space<vmem_shared>>
    tpu.enqueue_dma source(%arg10 : memref<10240xi32, #tpu.memory_space<vmem>>) target(%dma_start3A_54 : memref<10240xi32, #tpu.memory_space<vmem_shared>>) target_semaphore(%arg22 : memref<!tpu.dma_semaphore, #tpu.memory_space<semaphore_mem>>)
    %dma_wait3A_55 = tpu.memref_slice %arg5[%mul3A_52] : memref<1000000xi32, #tpu.memory_space<vmem_shared>> -> memref<10240xi32, #tpu.memory_space<vmem_shared>>
    %dma_wait3A_56 = tpu.memref_slice %arg5[%mul3A_52] : memref<1000000xi32, #tpu.memory_space<vmem_shared>> -> memref<10240xi32, #tpu.memory_space<vmem_shared>>
    tpu.wait_dma2 semaphore(%arg22 : memref<!tpu.dma_semaphore, #tpu.memory_space<semaphore_mem>>) src(%arg10 : memref<10240xi32, #tpu.memory_space<vmem>>) dst(%dma_wait3A_56 : memref<10240xi32, #tpu.memory_space<vmem_shared>>)
    %add3A_57 = arith.constant 64 : i32
    %add3A_58 = arith.addi %add3A_57, %arg1 : i32
    %mul3A_59 = arith.constant 10240 : i32
    %mul3A_60 = arith.muli %add3A_58, %mul3A_59 : i32
    %dma_start3A_61 = tpu.memref_slice %arg2[%mul3A_60] : memref<1000000xi32, #tpu.memory_space<hbm>> -> memref<10240xi32, #tpu.memory_space<hbm>>
    %dma_start3A_62 = tpu.memref_slice %arg2[%mul3A_60] : memref<1000000xi32, #tpu.memory_space<hbm>> -> memref<10240xi32, #tpu.memory_space<hbm>>
    tpu.enqueue_dma source(%dma_start3A_62 : memref<10240xi32, #tpu.memory_space<hbm>>) target(%arg10 : memref<10240xi32, #tpu.memory_space<vmem>>) target_semaphore(%arg16 : memref<!tpu.dma_semaphore, #tpu.memory_space<semaphore_mem>>)
    %dma_wait3A_63 = tpu.memref_slice %arg2[%mul3A_29] : memref<1000000xi32, #tpu.memory_space<hbm>> -> memref<10240xi32, #tpu.memory_space<hbm>>
    %dma_wait3A_64 = tpu.memref_slice %arg2[%mul3A_29] : memref<1000000xi32, #tpu.memory_space<hbm>> -> memref<10240xi32, #tpu.memory_space<hbm>>
    tpu.wait_dma2 semaphore(%arg17 : memref<!tpu.dma_semaphore, #tpu.memory_space<semaphore_mem>>) src(%dma_wait3A_64 : memref<10240xi32, #tpu.memory_space<hbm>>) dst(%arg11 : memref<10240xi32, #tpu.memory_space<vmem>>)
    %add3A_65 = arith.constant 32 : i32
    %add3A_66 = arith.addi %add3A_65, %arg1 : i32
    %mul3A_67 = arith.constant 10240 : i32
    %mul3A_68 = arith.muli %add3A_66, %mul3A_67 : i32
    %dma_start3A_69 = tpu.memref_slice %arg5[%mul3A_68] : memref<1000000xi32, #tpu.memory_space<vmem_shared>> -> memref<10240xi32, #tpu.memory_space<vmem_shared>>
    %dma_start3A_70 = tpu.memref_slice %arg5[%mul3A_68] : memref<1000000xi32, #tpu.memory_space<vmem_shared>> -> memref<10240xi32, #tpu.memory_space<vmem_shared>>
    tpu.enqueue_dma source(%arg11 : memref<10240xi32, #tpu.memory_space<vmem>>) target(%dma_start3A_70 : memref<10240xi32, #tpu.memory_space<vmem_shared>>) target_semaphore(%arg23 : memref<!tpu.dma_semaphore, #tpu.memory_space<semaphore_mem>>)
    %dma_wait3A_71 = tpu.memref_slice %arg5[%mul3A_68] : memref<1000000xi32, #tpu.memory_space<vmem_shared>> -> memref<10240xi32, #tpu.memory_space<vmem_shared>>
    %dma_wait3A_72 = tpu.memref_slice %arg5[%mul3A_68] : memref<1000000xi32, #tpu.memory_space<vmem_shared>> -> memref<10240xi32, #tpu.memory_space<vmem_shared>>
    tpu.wait_dma2 semaphore(%arg23 : memref<!tpu.dma_semaphore, #tpu.memory_space<semaphore_mem>>) src(%arg11 : memref<10240xi32, #tpu.memory_space<vmem>>) dst(%dma_wait3A_72 : memref<10240xi32, #tpu.memory_space<vmem_shared>>)
    %add3A_73 = arith.constant 80 : i32
    %add3A_74 = arith.addi %add3A_73, %arg1 : i32
    %mul3A_75 = arith.constant 10240 : i32
    %mul3A_76 = arith.muli %add3A_74, %mul3A_75 : i32
    %dma_start3A_77 = tpu.memref_slice %arg2[%mul3A_76] : memref<1000000xi32, #tpu.memory_space<hbm>> -> memref<10240xi32, #tpu.memory_space<hbm>>
    %dma_start3A_78 = tpu.memref_slice %arg2[%mul3A_76] : memref<1000000xi32, #tpu.memory_space<hbm>> -> memref<10240xi32, #tpu.memory_space<hbm>>
    tpu.enqueue_dma source(%dma_start3A_78 : memref<10240xi32, #tpu.memory_space<hbm>>) target(%arg11 : memref<10240xi32, #tpu.memory_space<vmem>>) target_semaphore(%arg17 : memref<!tpu.dma_semaphore, #tpu.memory_space<semaphore_mem>>)
    %dma_wait3A_79 = tpu.memref_slice %arg2[%mul3A_44] : memref<1000000xi32, #tpu.memory_space<hbm>> -> memref<10240xi32, #tpu.memory_space<hbm>>
    %dma_wait3A_80 = tpu.memref_slice %arg2[%mul3A_44] : memref<1000000xi32, #tpu.memory_space<hbm>> -> memref<10240xi32, #tpu.memory_space<hbm>>
    tpu.wait_dma2 semaphore(%arg15 : memref<!tpu.dma_semaphore, #tpu.memory_space<semaphore_mem>>) src(%dma_wait3A_80 : memref<10240xi32, #tpu.memory_space<hbm>>) dst(%arg9 : memref<10240xi32, #tpu.memory_space<vmem>>)
    %add3A_81 = arith.constant 48 : i32
    %add3A_82 = arith.addi %add3A_81, %arg1 : i32
    %mul3A_83 = arith.constant 10240 : i32
    %mul3A_84 = arith.muli %add3A_82, %mul3A_83 : i32
    %dma_start3A_85 = tpu.memref_slice %arg5[%mul3A_84] : memref<1000000xi32, #tpu.memory_space<vmem_shared>> -> memref<10240xi32, #tpu.memory_space<vmem_shared>>
    %dma_start3A_86 = tpu.memref_slice %arg5[%mul3A_84] : memref<1000000xi32, #tpu.memory_space<vmem_shared>> -> memref<10240xi32, #tpu.memory_space<vmem_shared>>
    tpu.enqueue_dma source(%arg9 : memref<10240xi32, #tpu.memory_space<vmem>>) target(%dma_start3A_86 : memref<10240xi32, #tpu.memory_space<vmem_shared>>) target_semaphore(%arg21 : memref<!tpu.dma_semaphore, #tpu.memory_space<semaphore_mem>>)
    %dma_wait3A_87 = tpu.memref_slice %arg2[%mul3A_60] : memref<1000000xi32, #tpu.memory_space<hbm>> -> memref<10240xi32, #tpu.memory_space<hbm>>
    %dma_wait3A_88 = tpu.memref_slice %arg2[%mul3A_60] : memref<1000000xi32, #tpu.memory_space<hbm>> -> memref<10240xi32, #tpu.memory_space<hbm>>
    tpu.wait_dma2 semaphore(%arg16 : memref<!tpu.dma_semaphore, #tpu.memory_space<semaphore_mem>>) src(%dma_wait3A_88 : memref<10240xi32, #tpu.memory_space<hbm>>) dst(%arg10 : memref<10240xi32, #tpu.memory_space<vmem>>)
    %add3A_89 = arith.constant 64 : i32
    %add3A_90 = arith.addi %add3A_89, %arg1 : i32
    %mul3A_91 = arith.constant 10240 : i32
    %mul3A_92 = arith.muli %add3A_90, %mul3A_91 : i32
    %dma_start3A_93 = tpu.memref_slice %arg5[%mul3A_92] : memref<1000000xi32, #tpu.memory_space<vmem_shared>> -> memref<10240xi32, #tpu.memory_space<vmem_shared>>
    %dma_start3A_94 = tpu.memref_slice %arg5[%mul3A_92] : memref<1000000xi32, #tpu.memory_space<vmem_shared>> -> memref<10240xi32, #tpu.memory_space<vmem_shared>>
    tpu.enqueue_dma source(%arg10 : memref<10240xi32, #tpu.memory_space<vmem>>) target(%dma_start3A_94 : memref<10240xi32, #tpu.memory_space<vmem_shared>>) target_semaphore(%arg22 : memref<!tpu.dma_semaphore, #tpu.memory_space<semaphore_mem>>)
    %dma_wait3A_95 = tpu.memref_slice %arg2[%mul3A_76] : memref<1000000xi32, #tpu.memory_space<hbm>> -> memref<10240xi32, #tpu.memory_space<hbm>>
    %dma_wait3A_96 = tpu.memref_slice %arg2[%mul3A_76] : memref<1000000xi32, #tpu.memory_space<hbm>> -> memref<10240xi32, #tpu.memory_space<hbm>>
    tpu.wait_dma2 semaphore(%arg17 : memref<!tpu.dma_semaphore, #tpu.memory_space<semaphore_mem>>) src(%dma_wait3A_96 : memref<10240xi32, #tpu.memory_space<hbm>>) dst(%arg11 : memref<10240xi32, #tpu.memory_space<vmem>>)
    %add3A_97 = arith.constant 80 : i32
    %add3A_98 = arith.addi %add3A_97, %arg1 : i32
    %mul3A_99 = arith.constant 10240 : i32
    %mul3A_100 = arith.muli %add3A_98, %mul3A_99 : i32
    %dma_start3A_101 = tpu.memref_slice %arg5[%mul3A_100] : memref<1000000xi32, #tpu.memory_space<vmem_shared>> -> memref<10240xi32, #tpu.memory_space<vmem_shared>>
    %dma_start3A_102 = tpu.memref_slice %arg5[%mul3A_100] : memref<1000000xi32, #tpu.memory_space<vmem_shared>> -> memref<10240xi32, #tpu.memory_space<vmem_shared>>
    tpu.enqueue_dma source(%arg11 : memref<10240xi32, #tpu.memory_space<vmem>>) target(%dma_start3A_102 : memref<10240xi32, #tpu.memory_space<vmem_shared>>) target_semaphore(%arg23 : memref<!tpu.dma_semaphore, #tpu.memory_space<semaphore_mem>>)
    %dma_wait3A_103 = tpu.memref_slice %arg5[%mul3A_84] : memref<1000000xi32, #tpu.memory_space<vmem_shared>> -> memref<10240xi32, #tpu.memory_space<vmem_shared>>
    %dma_wait3A_104 = tpu.memref_slice %arg5[%mul3A_84] : memref<1000000xi32, #tpu.memory_space<vmem_shared>> -> memref<10240xi32, #tpu.memory_space<vmem_shared>>
    tpu.wait_dma2 semaphore(%arg21 : memref<!tpu.dma_semaphore, #tpu.memory_space<semaphore_mem>>) src(%arg9 : memref<10240xi32, #tpu.memory_space<vmem>>) dst(%dma_wait3A_104 : memref<10240xi32, #tpu.memory_space<vmem_shared>>)
    %dma_wait3A_105 = tpu.memref_slice %arg5[%mul3A_92] : memref<1000000xi32, #tpu.memory_space<vmem_shared>> -> memref<10240xi32, #tpu.memory_space<vmem_shared>>
    %dma_wait3A_106 = tpu.memref_slice %arg5[%mul3A_92] : memref<1000000xi32, #tpu.memory_space<vmem_shared>> -> memref<10240xi32, #tpu.memory_space<vmem_shared>>
    tpu.wait_dma2 semaphore(%arg22 : memref<!tpu.dma_semaphore, #tpu.memory_space<semaphore_mem>>) src(%arg10 : memref<10240xi32, #tpu.memory_space<vmem>>) dst(%dma_wait3A_106 : memref<10240xi32, #tpu.memory_space<vmem_shared>>)
    %dma_wait3A_107 = tpu.memref_slice %arg5[%mul3A_100] : memref<1000000xi32, #tpu.memory_space<vmem_shared>> -> memref<10240xi32, #tpu.memory_space<vmem_shared>>
    %dma_wait3A_108 = tpu.memref_slice %arg5[%mul3A_100] : memref<1000000xi32, #tpu.memory_space<vmem_shared>> -> memref<10240xi32, #tpu.memory_space<vmem_shared>>
    tpu.wait_dma2 semaphore(%arg23 : memref<!tpu.dma_semaphore, #tpu.memory_space<semaphore_mem>>) src(%arg11 : memref<10240xi32, #tpu.memory_space<vmem>>) dst(%dma_wait3A_108 : memref<10240xi32, #tpu.memory_space<vmem_shared>>)
    %lt3A = arith.constant 8 : i32
    %lt3A_109 = arith.cmpi slt, %arg1, %lt3A : i32
    %convert_element_type3A = arith.extui %lt3A_109 : i1 to i32
    %cond3A = arith.constant 0 : i32
    %cond3A_110 = arith.cmpi ne, %convert_element_type3A, %cond3A : i32
    scf.if %cond3A_110 {
      %mul3A_259 = arith.constant 2120 : i32
      %mul3A_260 = arith.muli %arg1, %mul3A_259 : i32
      %add3A_261 = arith.constant 983040 : i32
      %add3A_262 = arith.addi %add3A_261, %mul3A_260 : i32
      %dma_start3A_263 = arith.constant 0 : i32
      %dma_start3A_264 = tpu.memref_slice %arg9[%dma_start3A_263] : memref<10240xi32, #tpu.memory_space<vmem>> -> memref<2120xi32, #tpu.memory_space<vmem>>
      %dma_start3A_265 = tpu.memref_slice %arg2[%add3A_262] : memref<1000000xi32, #tpu.memory_space<hbm>> -> memref<2120xi32, #tpu.memory_space<hbm>>
      %dma_start3A_266 = arith.constant 0 : i32
      %dma_start3A_267 = tpu.memref_slice %arg9[%dma_start3A_266] : memref<10240xi32, #tpu.memory_space<vmem>> -> memref<2120xi32, #tpu.memory_space<vmem>>
      %dma_start3A_268 = tpu.memref_slice %arg2[%add3A_262] : memref<1000000xi32, #tpu.memory_space<hbm>> -> memref<2120xi32, #tpu.memory_space<hbm>>
      tpu.enqueue_dma source(%dma_start3A_268 : memref<2120xi32, #tpu.memory_space<hbm>>) target(%dma_start3A_267 : memref<2120xi32, #tpu.memory_space<vmem>>) target_semaphore(%arg15 : memref<!tpu.dma_semaphore, #tpu.memory_space<semaphore_mem>>)
      %dma_wait3A_269 = arith.constant 0 : i32
      %dma_wait3A_270 = tpu.memref_slice %arg9[%dma_wait3A_269] : memref<10240xi32, #tpu.memory_space<vmem>> -> memref<2120xi32, #tpu.memory_space<vmem>>
      %dma_wait3A_271 = tpu.memref_slice %arg2[%add3A_262] : memref<1000000xi32, #tpu.memory_space<hbm>> -> memref<2120xi32, #tpu.memory_space<hbm>>
      %dma_wait3A_272 = arith.constant 0 : i32
      %dma_wait3A_273 = tpu.memref_slice %arg9[%dma_wait3A_272] : memref<10240xi32, #tpu.memory_space<vmem>> -> memref<2120xi32, #tpu.memory_space<vmem>>
      %dma_wait3A_274 = tpu.memref_slice %arg2[%add3A_262] : memref<1000000xi32, #tpu.memory_space<hbm>> -> memref<2120xi32, #tpu.memory_space<hbm>>
      tpu.wait_dma2 semaphore(%arg15 : memref<!tpu.dma_semaphore, #tpu.memory_space<semaphore_mem>>) src(%dma_wait3A_274 : memref<2120xi32, #tpu.memory_space<hbm>>) dst(%dma_wait3A_273 : memref<2120xi32, #tpu.memory_space<vmem>>)
      %dma_start3A_275 = arith.constant 0 : i32
      %dma_start3A_276 = tpu.memref_slice %arg9[%dma_start3A_275] : memref<10240xi32, #tpu.memory_space<vmem>> -> memref<2120xi32, #tpu.memory_space<vmem>>
      %dma_start3A_277 = tpu.memref_slice %arg5[%add3A_262] : memref<1000000xi32, #tpu.memory_space<vmem_shared>> -> memref<2120xi32, #tpu.memory_space<vmem_shared>>
      %dma_start3A_278 = tpu.memref_slice %arg5[%add3A_262] : memref<1000000xi32, #tpu.memory_space<vmem_shared>> -> memref<2120xi32, #tpu.memory_space<vmem_shared>>
      %dma_start3A_279 = arith.constant 0 : i32
      %dma_start3A_280 = tpu.memref_slice %arg9[%dma_start3A_279] : memref<10240xi32, #tpu.memory_space<vmem>> -> memref<2120xi32, #tpu.memory_space<vmem>>
      tpu.enqueue_dma source(%dma_start3A_280 : memref<2120xi32, #tpu.memory_space<vmem>>) target(%dma_start3A_278 : memref<2120xi32, #tpu.memory_space<vmem_shared>>) target_semaphore(%arg21 : memref<!tpu.dma_semaphore, #tpu.memory_space<semaphore_mem>>)
      %dma_wait3A_281 = arith.constant 0 : i32
      %dma_wait3A_282 = tpu.memref_slice %arg9[%dma_wait3A_281] : memref<10240xi32, #tpu.memory_space<vmem>> -> memref<2120xi32, #tpu.memory_space<vmem>>
      %dma_wait3A_283 = tpu.memref_slice %arg5[%add3A_262] : memref<1000000xi32, #tpu.memory_space<vmem_shared>> -> memref<2120xi32, #tpu.memory_space<vmem_shared>>
      %dma_wait3A_284 = tpu.memref_slice %arg5[%add3A_262] : memref<1000000xi32, #tpu.memory_space<vmem_shared>> -> memref<2120xi32, #tpu.memory_space<vmem_shared>>
      %dma_wait3A_285 = arith.constant 0 : i32
      %dma_wait3A_286 = tpu.memref_slice %arg9[%dma_wait3A_285] : memref<10240xi32, #tpu.memory_space<vmem>> -> memref<2120xi32, #tpu.memory_space<vmem>>
      tpu.wait_dma2 semaphore(%arg21 : memref<!tpu.dma_semaphore, #tpu.memory_space<semaphore_mem>>) src(%dma_wait3A_286 : memref<2120xi32, #tpu.memory_space<vmem>>) dst(%dma_wait3A_284 : memref<2120xi32, #tpu.memory_space<vmem_shared>>)
    } else {
    }
    %barrier3A = arith.constant 0 : index
    tpu.barrier barrier_id(%barrier3A)
    %dma_wait3A_111 = tpu.memref_slice %arg3[%add3A_4] : memref<3276800xi32, #tpu.memory_space<hbm>> -> memref<10240xi32, #tpu.memory_space<hbm>>
    %dma_wait3A_112 = tpu.memref_slice %arg3[%add3A_4] : memref<3276800xi32, #tpu.memory_space<hbm>> -> memref<10240xi32, #tpu.memory_space<hbm>>
    tpu.wait_dma2 semaphore(%arg12 : memref<!tpu.dma_semaphore, #tpu.memory_space<semaphore_mem>>) src(%dma_wait3A_112 : memref<10240xi32, #tpu.memory_space<hbm>>) dst(%arg6 : memref<10240xi32, #tpu.memory_space<vmem>>)
    %dma_start3A_113 = arith.constant 0 : i32
    %dma_start3A_114 = tpu.memref_slice %arg5[%dma_start3A_113] : memref<1000000xi32, #tpu.memory_space<vmem_shared>> -> memref<1000000xi32, #tpu.memory_space<vmem_shared>>
    tpu.enqueue_indirect_dma source(%dma_start3A_114 : memref<1000000xi32, #tpu.memory_space<vmem_shared>>) target(%arg9 : memref<10240xi32, #tpu.memory_space<vmem>>) offsets(%arg6 : memref<10240xi32, #tpu.memory_space<vmem>>) semaphore(%arg15 : memref<!tpu.dma_semaphore, #tpu.memory_space<semaphore_mem>>)
    %dma_wait3A_115 = tpu.memref_slice %arg3[%add3A_7] : memref<3276800xi32, #tpu.memory_space<hbm>> -> memref<10240xi32, #tpu.memory_space<hbm>>
    %dma_wait3A_116 = tpu.memref_slice %arg3[%add3A_7] : memref<3276800xi32, #tpu.memory_space<hbm>> -> memref<10240xi32, #tpu.memory_space<hbm>>
    tpu.wait_dma2 semaphore(%arg13 : memref<!tpu.dma_semaphore, #tpu.memory_space<semaphore_mem>>) src(%dma_wait3A_116 : memref<10240xi32, #tpu.memory_space<hbm>>) dst(%arg7 : memref<10240xi32, #tpu.memory_space<vmem>>)
    %dma_start3A_117 = arith.constant 0 : i32
    %dma_start3A_118 = tpu.memref_slice %arg5[%dma_start3A_117] : memref<1000000xi32, #tpu.memory_space<vmem_shared>> -> memref<1000000xi32, #tpu.memory_space<vmem_shared>>
    tpu.enqueue_indirect_dma source(%dma_start3A_118 : memref<1000000xi32, #tpu.memory_space<vmem_shared>>) target(%arg10 : memref<10240xi32, #tpu.memory_space<vmem>>) offsets(%arg7 : memref<10240xi32, #tpu.memory_space<vmem>>) semaphore(%arg16 : memref<!tpu.dma_semaphore, #tpu.memory_space<semaphore_mem>>)
    %dma_wait3A_119 = tpu.memref_slice %arg3[%add3A_11] : memref<3276800xi32, #tpu.memory_space<hbm>> -> memref<10240xi32, #tpu.memory_space<hbm>>
    %dma_wait3A_120 = tpu.memref_slice %arg3[%add3A_11] : memref<3276800xi32, #tpu.memory_space<hbm>> -> memref<10240xi32, #tpu.memory_space<hbm>>
    tpu.wait_dma2 semaphore(%arg14 : memref<!tpu.dma_semaphore, #tpu.memory_space<semaphore_mem>>) src(%dma_wait3A_120 : memref<10240xi32, #tpu.memory_space<hbm>>) dst(%arg8 : memref<10240xi32, #tpu.memory_space<vmem>>)
    %dma_start3A_121 = arith.constant 0 : i32
    %dma_start3A_122 = tpu.memref_slice %arg5[%dma_start3A_121] : memref<1000000xi32, #tpu.memory_space<vmem_shared>> -> memref<1000000xi32, #tpu.memory_space<vmem_shared>>
    tpu.enqueue_indirect_dma source(%dma_start3A_122 : memref<1000000xi32, #tpu.memory_space<vmem_shared>>) target(%arg11 : memref<10240xi32, #tpu.memory_space<vmem>>) offsets(%arg8 : memref<10240xi32, #tpu.memory_space<vmem>>) semaphore(%arg17 : memref<!tpu.dma_semaphore, #tpu.memory_space<semaphore_mem>>)
    %dma_wait3A_123 = arith.constant 0 : i32
    %dma_wait3A_124 = tpu.memref_slice %arg5[%dma_wait3A_123] : memref<1000000xi32, #tpu.memory_space<vmem_shared>> -> memref<1000000xi32, #tpu.memory_space<vmem_shared>>
    tpu.wait_indirect_dma semaphore(%arg15 : memref<!tpu.dma_semaphore, #tpu.memory_space<semaphore_mem>>) src(%dma_wait3A_124 : memref<1000000xi32, #tpu.memory_space<vmem_shared>>) dst(%arg9 : memref<10240xi32, #tpu.memory_space<vmem>>)
    %add3A_125 = arith.constant 0 : i32
    %add3A_126 = arith.addi %mul3A_2, %add3A_125 : i32
    %dma_start3A_127 = tpu.memref_slice %arg4[%add3A_126] : memref<3276800xi32, #tpu.memory_space<hbm>> -> memref<10240xi32, #tpu.memory_space<hbm>>
    %dma_start3A_128 = tpu.memref_slice %arg4[%add3A_126] : memref<3276800xi32, #tpu.memory_space<hbm>> -> memref<10240xi32, #tpu.memory_space<hbm>>
    tpu.enqueue_dma source(%arg9 : memref<10240xi32, #tpu.memory_space<vmem>>) target(%dma_start3A_128 : memref<10240xi32, #tpu.memory_space<hbm>>) target_semaphore(%arg18 : memref<!tpu.dma_semaphore, #tpu.memory_space<semaphore_mem>>)
    %add3A_129 = arith.constant 30720 : i32
    %add3A_130 = arith.addi %mul3A_2, %add3A_129 : i32
    %dma_start3A_131 = tpu.memref_slice %arg3[%add3A_130] : memref<3276800xi32, #tpu.memory_space<hbm>> -> memref<10240xi32, #tpu.memory_space<hbm>>
    %dma_start3A_132 = tpu.memref_slice %arg3[%add3A_130] : memref<3276800xi32, #tpu.memory_space<hbm>> -> memref<10240xi32, #tpu.memory_space<hbm>>
    tpu.enqueue_dma source(%dma_start3A_132 : memref<10240xi32, #tpu.memory_space<hbm>>) target(%arg6 : memref<10240xi32, #tpu.memory_space<vmem>>) target_semaphore(%arg12 : memref<!tpu.dma_semaphore, #tpu.memory_space<semaphore_mem>>)
    %dma_wait3A_133 = tpu.memref_slice %arg3[%add3A_130] : memref<3276800xi32, #tpu.memory_space<hbm>> -> memref<10240xi32, #tpu.memory_space<hbm>>
    %dma_wait3A_134 = tpu.memref_slice %arg3[%add3A_130] : memref<3276800xi32, #tpu.memory_space<hbm>> -> memref<10240xi32, #tpu.memory_space<hbm>>
    tpu.wait_dma2 semaphore(%arg12 : memref<!tpu.dma_semaphore, #tpu.memory_space<semaphore_mem>>) src(%dma_wait3A_134 : memref<10240xi32, #tpu.memory_space<hbm>>) dst(%arg6 : memref<10240xi32, #tpu.memory_space<vmem>>)
    %dma_wait3A_135 = tpu.memref_slice %arg4[%add3A_126] : memref<3276800xi32, #tpu.memory_space<hbm>> -> memref<10240xi32, #tpu.memory_space<hbm>>
    %dma_wait3A_136 = tpu.memref_slice %arg4[%add3A_126] : memref<3276800xi32, #tpu.memory_space<hbm>> -> memref<10240xi32, #tpu.memory_space<hbm>>
    tpu.wait_dma2 semaphore(%arg18 : memref<!tpu.dma_semaphore, #tpu.memory_space<semaphore_mem>>) src(%arg9 : memref<10240xi32, #tpu.memory_space<vmem>>) dst(%dma_wait3A_136 : memref<10240xi32, #tpu.memory_space<hbm>>)
    %dma_start3A_137 = arith.constant 0 : i32
    %dma_start3A_138 = tpu.memref_slice %arg5[%dma_start3A_137] : memref<1000000xi32, #tpu.memory_space<vmem_shared>> -> memref<1000000xi32, #tpu.memory_space<vmem_shared>>
    tpu.enqueue_indirect_dma source(%dma_start3A_138 : memref<1000000xi32, #tpu.memory_space<vmem_shared>>) target(%arg9 : memref<10240xi32, #tpu.memory_space<vmem>>) offsets(%arg6 : memref<10240xi32, #tpu.memory_space<vmem>>) semaphore(%arg15 : memref<!tpu.dma_semaphore, #tpu.memory_space<semaphore_mem>>)
    %dma_wait3A_139 = arith.constant 0 : i32
    %dma_wait3A_140 = tpu.memref_slice %arg5[%dma_wait3A_139] : memref<1000000xi32, #tpu.memory_space<vmem_shared>> -> memref<1000000xi32, #tpu.memory_space<vmem_shared>>
    tpu.wait_indirect_dma semaphore(%arg16 : memref<!tpu.dma_semaphore, #tpu.memory_space<semaphore_mem>>) src(%dma_wait3A_140 : memref<1000000xi32, #tpu.memory_space<vmem_shared>>) dst(%arg10 : memref<10240xi32, #tpu.memory_space<vmem>>)
    %add3A_141 = arith.constant 10240 : i32
    %add3A_142 = arith.addi %mul3A_2, %add3A_141 : i32
    %dma_start3A_143 = tpu.memref_slice %arg4[%add3A_142] : memref<3276800xi32, #tpu.memory_space<hbm>> -> memref<10240xi32, #tpu.memory_space<hbm>>
    %dma_start3A_144 = tpu.memref_slice %arg4[%add3A_142] : memref<3276800xi32, #tpu.memory_space<hbm>> -> memref<10240xi32, #tpu.memory_space<hbm>>
    tpu.enqueue_dma source(%arg10 : memref<10240xi32, #tpu.memory_space<vmem>>) target(%dma_start3A_144 : memref<10240xi32, #tpu.memory_space<hbm>>) target_semaphore(%arg19 : memref<!tpu.dma_semaphore, #tpu.memory_space<semaphore_mem>>)
    %add3A_145 = arith.constant 40960 : i32
    %add3A_146 = arith.addi %mul3A_2, %add3A_145 : i32
    %dma_start3A_147 = tpu.memref_slice %arg3[%add3A_146] : memref<3276800xi32, #tpu.memory_space<hbm>> -> memref<10240xi32, #tpu.memory_space<hbm>>
    %dma_start3A_148 = tpu.memref_slice %arg3[%add3A_146] : memref<3276800xi32, #tpu.memory_space<hbm>> -> memref<10240xi32, #tpu.memory_space<hbm>>
    tpu.enqueue_dma source(%dma_start3A_148 : memref<10240xi32, #tpu.memory_space<hbm>>) target(%arg7 : memref<10240xi32, #tpu.memory_space<vmem>>) target_semaphore(%arg13 : memref<!tpu.dma_semaphore, #tpu.memory_space<semaphore_mem>>)
    %dma_wait3A_149 = tpu.memref_slice %arg3[%add3A_146] : memref<3276800xi32, #tpu.memory_space<hbm>> -> memref<10240xi32, #tpu.memory_space<hbm>>
    %dma_wait3A_150 = tpu.memref_slice %arg3[%add3A_146] : memref<3276800xi32, #tpu.memory_space<hbm>> -> memref<10240xi32, #tpu.memory_space<hbm>>
    tpu.wait_dma2 semaphore(%arg13 : memref<!tpu.dma_semaphore, #tpu.memory_space<semaphore_mem>>) src(%dma_wait3A_150 : memref<10240xi32, #tpu.memory_space<hbm>>) dst(%arg7 : memref<10240xi32, #tpu.memory_space<vmem>>)
    %dma_wait3A_151 = tpu.memref_slice %arg4[%add3A_142] : memref<3276800xi32, #tpu.memory_space<hbm>> -> memref<10240xi32, #tpu.memory_space<hbm>>
    %dma_wait3A_152 = tpu.memref_slice %arg4[%add3A_142] : memref<3276800xi32, #tpu.memory_space<hbm>> -> memref<10240xi32, #tpu.memory_space<hbm>>
    tpu.wait_dma2 semaphore(%arg19 : memref<!tpu.dma_semaphore, #tpu.memory_space<semaphore_mem>>) src(%arg10 : memref<10240xi32, #tpu.memory_space<vmem>>) dst(%dma_wait3A_152 : memref<10240xi32, #tpu.memory_space<hbm>>)
    %dma_start3A_153 = arith.constant 0 : i32
    %dma_start3A_154 = tpu.memref_slice %arg5[%dma_start3A_153] : memref<1000000xi32, #tpu.memory_space<vmem_shared>> -> memref<1000000xi32, #tpu.memory_space<vmem_shared>>
    tpu.enqueue_indirect_dma source(%dma_start3A_154 : memref<1000000xi32, #tpu.memory_space<vmem_shared>>) target(%arg10 : memref<10240xi32, #tpu.memory_space<vmem>>) offsets(%arg7 : memref<10240xi32, #tpu.memory_space<vmem>>) semaphore(%arg16 : memref<!tpu.dma_semaphore, #tpu.memory_space<semaphore_mem>>)
    %dma_wait3A_155 = arith.constant 0 : i32
    %dma_wait3A_156 = tpu.memref_slice %arg5[%dma_wait3A_155] : memref<1000000xi32, #tpu.memory_space<vmem_shared>> -> memref<1000000xi32, #tpu.memory_space<vmem_shared>>
    tpu.wait_indirect_dma semaphore(%arg17 : memref<!tpu.dma_semaphore, #tpu.memory_space<semaphore_mem>>) src(%dma_wait3A_156 : memref<1000000xi32, #tpu.memory_space<vmem_shared>>) dst(%arg11 : memref<10240xi32, #tpu.memory_space<vmem>>)
    %add3A_157 = arith.constant 20480 : i32
    %add3A_158 = arith.addi %mul3A_2, %add3A_157 : i32
    %dma_start3A_159 = tpu.memref_slice %arg4[%add3A_158] : memref<3276800xi32, #tpu.memory_space<hbm>> -> memref<10240xi32, #tpu.memory_space<hbm>>
    %dma_start3A_160 = tpu.memref_slice %arg4[%add3A_158] : memref<3276800xi32, #tpu.memory_space<hbm>> -> memref<10240xi32, #tpu.memory_space<hbm>>
    tpu.enqueue_dma source(%arg11 : memref<10240xi32, #tpu.memory_space<vmem>>) target(%dma_start3A_160 : memref<10240xi32, #tpu.memory_space<hbm>>) target_semaphore(%arg20 : memref<!tpu.dma_semaphore, #tpu.memory_space<semaphore_mem>>)
    %add3A_161 = arith.constant 51200 : i32
    %add3A_162 = arith.addi %mul3A_2, %add3A_161 : i32
    %dma_start3A_163 = tpu.memref_slice %arg3[%add3A_162] : memref<3276800xi32, #tpu.memory_space<hbm>> -> memref<10240xi32, #tpu.memory_space<hbm>>
    %dma_start3A_164 = tpu.memref_slice %arg3[%add3A_162] : memref<3276800xi32, #tpu.memory_space<hbm>> -> memref<10240xi32, #tpu.memory_space<hbm>>
    tpu.enqueue_dma source(%dma_start3A_164 : memref<10240xi32, #tpu.memory_space<hbm>>) target(%arg8 : memref<10240xi32, #tpu.memory_space<vmem>>) target_semaphore(%arg14 : memref<!tpu.dma_semaphore, #tpu.memory_space<semaphore_mem>>)
    %dma_wait3A_165 = tpu.memref_slice %arg3[%add3A_162] : memref<3276800xi32, #tpu.memory_space<hbm>> -> memref<10240xi32, #tpu.memory_space<hbm>>
    %dma_wait3A_166 = tpu.memref_slice %arg3[%add3A_162] : memref<3276800xi32, #tpu.memory_space<hbm>> -> memref<10240xi32, #tpu.memory_space<hbm>>
    tpu.wait_dma2 semaphore(%arg14 : memref<!tpu.dma_semaphore, #tpu.memory_space<semaphore_mem>>) src(%dma_wait3A_166 : memref<10240xi32, #tpu.memory_space<hbm>>) dst(%arg8 : memref<10240xi32, #tpu.memory_space<vmem>>)
    %dma_wait3A_167 = tpu.memref_slice %arg4[%add3A_158] : memref<3276800xi32, #tpu.memory_space<hbm>> -> memref<10240xi32, #tpu.memory_space<hbm>>
    %dma_wait3A_168 = tpu.memref_slice %arg4[%add3A_158] : memref<3276800xi32, #tpu.memory_space<hbm>> -> memref<10240xi32, #tpu.memory_space<hbm>>
    tpu.wait_dma2 semaphore(%arg20 : memref<!tpu.dma_semaphore, #tpu.memory_space<semaphore_mem>>) src(%arg11 : memref<10240xi32, #tpu.memory_space<vmem>>) dst(%dma_wait3A_168 : memref<10240xi32, #tpu.memory_space<hbm>>)
    %dma_start3A_169 = arith.constant 0 : i32
    %dma_start3A_170 = tpu.memref_slice %arg5[%dma_start3A_169] : memref<1000000xi32, #tpu.memory_space<vmem_shared>> -> memref<1000000xi32, #tpu.memory_space<vmem_shared>>
    tpu.enqueue_indirect_dma source(%dma_start3A_170 : memref<1000000xi32, #tpu.memory_space<vmem_shared>>) target(%arg11 : memref<10240xi32, #tpu.memory_space<vmem>>) offsets(%arg8 : memref<10240xi32, #tpu.memory_space<vmem>>) semaphore(%arg17 : memref<!tpu.dma_semaphore, #tpu.memory_space<semaphore_mem>>)
    %dma_wait3A_171 = arith.constant 0 : i32
    %dma_wait3A_172 = tpu.memref_slice %arg5[%dma_wait3A_171] : memref<1000000xi32, #tpu.memory_space<vmem_shared>> -> memref<1000000xi32, #tpu.memory_space<vmem_shared>>
    tpu.wait_indirect_dma semaphore(%arg15 : memref<!tpu.dma_semaphore, #tpu.memory_space<semaphore_mem>>) src(%dma_wait3A_172 : memref<1000000xi32, #tpu.memory_space<vmem_shared>>) dst(%arg9 : memref<10240xi32, #tpu.memory_space<vmem>>)
    %add3A_173 = arith.constant 30720 : i32
    %add3A_174 = arith.addi %mul3A_2, %add3A_173 : i32
    %dma_start3A_175 = tpu.memref_slice %arg4[%add3A_174] : memref<3276800xi32, #tpu.memory_space<hbm>> -> memref<10240xi32, #tpu.memory_space<hbm>>
    %dma_start3A_176 = tpu.memref_slice %arg4[%add3A_174] : memref<3276800xi32, #tpu.memory_space<hbm>> -> memref<10240xi32, #tpu.memory_space<hbm>>
    tpu.enqueue_dma source(%arg9 : memref<10240xi32, #tpu.memory_space<vmem>>) target(%dma_start3A_176 : memref<10240xi32, #tpu.memory_space<hbm>>) target_semaphore(%arg18 : memref<!tpu.dma_semaphore, #tpu.memory_space<semaphore_mem>>)
    %add3A_177 = arith.constant 61440 : i32
    %add3A_178 = arith.addi %mul3A_2, %add3A_177 : i32
    %dma_start3A_179 = tpu.memref_slice %arg3[%add3A_178] : memref<3276800xi32, #tpu.memory_space<hbm>> -> memref<10240xi32, #tpu.memory_space<hbm>>
    %dma_start3A_180 = tpu.memref_slice %arg3[%add3A_178] : memref<3276800xi32, #tpu.memory_space<hbm>> -> memref<10240xi32, #tpu.memory_space<hbm>>
    tpu.enqueue_dma source(%dma_start3A_180 : memref<10240xi32, #tpu.memory_space<hbm>>) target(%arg6 : memref<10240xi32, #tpu.memory_space<vmem>>) target_semaphore(%arg12 : memref<!tpu.dma_semaphore, #tpu.memory_space<semaphore_mem>>)
    %dma_wait3A_181 = tpu.memref_slice %arg3[%add3A_178] : memref<3276800xi32, #tpu.memory_space<hbm>> -> memref<10240xi32, #tpu.memory_space<hbm>>
    %dma_wait3A_182 = tpu.memref_slice %arg3[%add3A_178] : memref<3276800xi32, #tpu.memory_space<hbm>> -> memref<10240xi32, #tpu.memory_space<hbm>>
    tpu.wait_dma2 semaphore(%arg12 : memref<!tpu.dma_semaphore, #tpu.memory_space<semaphore_mem>>) src(%dma_wait3A_182 : memref<10240xi32, #tpu.memory_space<hbm>>) dst(%arg6 : memref<10240xi32, #tpu.memory_space<vmem>>)
    %dma_wait3A_183 = tpu.memref_slice %arg4[%add3A_174] : memref<3276800xi32, #tpu.memory_space<hbm>> -> memref<10240xi32, #tpu.memory_space<hbm>>
    %dma_wait3A_184 = tpu.memref_slice %arg4[%add3A_174] : memref<3276800xi32, #tpu.memory_space<hbm>> -> memref<10240xi32, #tpu.memory_space<hbm>>
    tpu.wait_dma2 semaphore(%arg18 : memref<!tpu.dma_semaphore, #tpu.memory_space<semaphore_mem>>) src(%arg9 : memref<10240xi32, #tpu.memory_space<vmem>>) dst(%dma_wait3A_184 : memref<10240xi32, #tpu.memory_space<hbm>>)
    %dma_start3A_185 = arith.constant 0 : i32
    %dma_start3A_186 = tpu.memref_slice %arg5[%dma_start3A_185] : memref<1000000xi32, #tpu.memory_space<vmem_shared>> -> memref<1000000xi32, #tpu.memory_space<vmem_shared>>
    tpu.enqueue_indirect_dma source(%dma_start3A_186 : memref<1000000xi32, #tpu.memory_space<vmem_shared>>) target(%arg9 : memref<10240xi32, #tpu.memory_space<vmem>>) offsets(%arg6 : memref<10240xi32, #tpu.memory_space<vmem>>) semaphore(%arg15 : memref<!tpu.dma_semaphore, #tpu.memory_space<semaphore_mem>>)
    %dma_wait3A_187 = arith.constant 0 : i32
    %dma_wait3A_188 = tpu.memref_slice %arg5[%dma_wait3A_187] : memref<1000000xi32, #tpu.memory_space<vmem_shared>> -> memref<1000000xi32, #tpu.memory_space<vmem_shared>>
    tpu.wait_indirect_dma semaphore(%arg16 : memref<!tpu.dma_semaphore, #tpu.memory_space<semaphore_mem>>) src(%dma_wait3A_188 : memref<1000000xi32, #tpu.memory_space<vmem_shared>>) dst(%arg10 : memref<10240xi32, #tpu.memory_space<vmem>>)
    %add3A_189 = arith.constant 40960 : i32
    %add3A_190 = arith.addi %mul3A_2, %add3A_189 : i32
    %dma_start3A_191 = tpu.memref_slice %arg4[%add3A_190] : memref<3276800xi32, #tpu.memory_space<hbm>> -> memref<10240xi32, #tpu.memory_space<hbm>>
    %dma_start3A_192 = tpu.memref_slice %arg4[%add3A_190] : memref<3276800xi32, #tpu.memory_space<hbm>> -> memref<10240xi32, #tpu.memory_space<hbm>>
    tpu.enqueue_dma source(%arg10 : memref<10240xi32, #tpu.memory_space<vmem>>) target(%dma_start3A_192 : memref<10240xi32, #tpu.memory_space<hbm>>) target_semaphore(%arg19 : memref<!tpu.dma_semaphore, #tpu.memory_space<semaphore_mem>>)
    %add3A_193 = arith.constant 71680 : i32
    %add3A_194 = arith.addi %mul3A_2, %add3A_193 : i32
    %dma_start3A_195 = tpu.memref_slice %arg3[%add3A_194] : memref<3276800xi32, #tpu.memory_space<hbm>> -> memref<10240xi32, #tpu.memory_space<hbm>>
    %dma_start3A_196 = tpu.memref_slice %arg3[%add3A_194] : memref<3276800xi32, #tpu.memory_space<hbm>> -> memref<10240xi32, #tpu.memory_space<hbm>>
    tpu.enqueue_dma source(%dma_start3A_196 : memref<10240xi32, #tpu.memory_space<hbm>>) target(%arg7 : memref<10240xi32, #tpu.memory_space<vmem>>) target_semaphore(%arg13 : memref<!tpu.dma_semaphore, #tpu.memory_space<semaphore_mem>>)
    %dma_wait3A_197 = tpu.memref_slice %arg3[%add3A_194] : memref<3276800xi32, #tpu.memory_space<hbm>> -> memref<10240xi32, #tpu.memory_space<hbm>>
    %dma_wait3A_198 = tpu.memref_slice %arg3[%add3A_194] : memref<3276800xi32, #tpu.memory_space<hbm>> -> memref<10240xi32, #tpu.memory_space<hbm>>
    tpu.wait_dma2 semaphore(%arg13 : memref<!tpu.dma_semaphore, #tpu.memory_space<semaphore_mem>>) src(%dma_wait3A_198 : memref<10240xi32, #tpu.memory_space<hbm>>) dst(%arg7 : memref<10240xi32, #tpu.memory_space<vmem>>)
    %dma_wait3A_199 = tpu.memref_slice %arg4[%add3A_190] : memref<3276800xi32, #tpu.memory_space<hbm>> -> memref<10240xi32, #tpu.memory_space<hbm>>
    %dma_wait3A_200 = tpu.memref_slice %arg4[%add3A_190] : memref<3276800xi32, #tpu.memory_space<hbm>> -> memref<10240xi32, #tpu.memory_space<hbm>>
    tpu.wait_dma2 semaphore(%arg19 : memref<!tpu.dma_semaphore, #tpu.memory_space<semaphore_mem>>) src(%arg10 : memref<10240xi32, #tpu.memory_space<vmem>>) dst(%dma_wait3A_200 : memref<10240xi32, #tpu.memory_space<hbm>>)
    %dma_start3A_201 = arith.constant 0 : i32
    %dma_start3A_202 = tpu.memref_slice %arg5[%dma_start3A_201] : memref<1000000xi32, #tpu.memory_space<vmem_shared>> -> memref<1000000xi32, #tpu.memory_space<vmem_shared>>
    tpu.enqueue_indirect_dma source(%dma_start3A_202 : memref<1000000xi32, #tpu.memory_space<vmem_shared>>) target(%arg10 : memref<10240xi32, #tpu.memory_space<vmem>>) offsets(%arg7 : memref<10240xi32, #tpu.memory_space<vmem>>) semaphore(%arg16 : memref<!tpu.dma_semaphore, #tpu.memory_space<semaphore_mem>>)
    %dma_wait3A_203 = arith.constant 0 : i32
    %dma_wait3A_204 = tpu.memref_slice %arg5[%dma_wait3A_203] : memref<1000000xi32, #tpu.memory_space<vmem_shared>> -> memref<1000000xi32, #tpu.memory_space<vmem_shared>>
    tpu.wait_indirect_dma semaphore(%arg17 : memref<!tpu.dma_semaphore, #tpu.memory_space<semaphore_mem>>) src(%dma_wait3A_204 : memref<1000000xi32, #tpu.memory_space<vmem_shared>>) dst(%arg11 : memref<10240xi32, #tpu.memory_space<vmem>>)
    %add3A_205 = arith.constant 51200 : i32
    %add3A_206 = arith.addi %mul3A_2, %add3A_205 : i32
    %dma_start3A_207 = tpu.memref_slice %arg4[%add3A_206] : memref<3276800xi32, #tpu.memory_space<hbm>> -> memref<10240xi32, #tpu.memory_space<hbm>>
    %dma_start3A_208 = tpu.memref_slice %arg4[%add3A_206] : memref<3276800xi32, #tpu.memory_space<hbm>> -> memref<10240xi32, #tpu.memory_space<hbm>>
    tpu.enqueue_dma source(%arg11 : memref<10240xi32, #tpu.memory_space<vmem>>) target(%dma_start3A_208 : memref<10240xi32, #tpu.memory_space<hbm>>) target_semaphore(%arg20 : memref<!tpu.dma_semaphore, #tpu.memory_space<semaphore_mem>>)
    %add3A_209 = arith.constant 81920 : i32
    %add3A_210 = arith.addi %mul3A_2, %add3A_209 : i32
    %dma_start3A_211 = tpu.memref_slice %arg3[%add3A_210] : memref<3276800xi32, #tpu.memory_space<hbm>> -> memref<10240xi32, #tpu.memory_space<hbm>>
    %dma_start3A_212 = tpu.memref_slice %arg3[%add3A_210] : memref<3276800xi32, #tpu.memory_space<hbm>> -> memref<10240xi32, #tpu.memory_space<hbm>>
    tpu.enqueue_dma source(%dma_start3A_212 : memref<10240xi32, #tpu.memory_space<hbm>>) target(%arg8 : memref<10240xi32, #tpu.memory_space<vmem>>) target_semaphore(%arg14 : memref<!tpu.dma_semaphore, #tpu.memory_space<semaphore_mem>>)
    %dma_wait3A_213 = tpu.memref_slice %arg3[%add3A_210] : memref<3276800xi32, #tpu.memory_space<hbm>> -> memref<10240xi32, #tpu.memory_space<hbm>>
    %dma_wait3A_214 = tpu.memref_slice %arg3[%add3A_210] : memref<3276800xi32, #tpu.memory_space<hbm>> -> memref<10240xi32, #tpu.memory_space<hbm>>
    tpu.wait_dma2 semaphore(%arg14 : memref<!tpu.dma_semaphore, #tpu.memory_space<semaphore_mem>>) src(%dma_wait3A_214 : memref<10240xi32, #tpu.memory_space<hbm>>) dst(%arg8 : memref<10240xi32, #tpu.memory_space<vmem>>)
    %dma_wait3A_215 = tpu.memref_slice %arg4[%add3A_206] : memref<3276800xi32, #tpu.memory_space<hbm>> -> memref<10240xi32, #tpu.memory_space<hbm>>
    %dma_wait3A_216 = tpu.memref_slice %arg4[%add3A_206] : memref<3276800xi32, #tpu.memory_space<hbm>> -> memref<10240xi32, #tpu.memory_space<hbm>>
    tpu.wait_dma2 semaphore(%arg20 : memref<!tpu.dma_semaphore, #tpu.memory_space<semaphore_mem>>) src(%arg11 : memref<10240xi32, #tpu.memory_space<vmem>>) dst(%dma_wait3A_216 : memref<10240xi32, #tpu.memory_space<hbm>>)
    %dma_start3A_217 = arith.constant 0 : i32
    %dma_start3A_218 = tpu.memref_slice %arg5[%dma_start3A_217] : memref<1000000xi32, #tpu.memory_space<vmem_shared>> -> memref<1000000xi32, #tpu.memory_space<vmem_shared>>
    tpu.enqueue_indirect_dma source(%dma_start3A_218 : memref<1000000xi32, #tpu.memory_space<vmem_shared>>) target(%arg11 : memref<10240xi32, #tpu.memory_space<vmem>>) offsets(%arg8 : memref<10240xi32, #tpu.memory_space<vmem>>) semaphore(%arg17 : memref<!tpu.dma_semaphore, #tpu.memory_space<semaphore_mem>>)
    %dma_wait3A_219 = arith.constant 0 : i32
    %dma_wait3A_220 = tpu.memref_slice %arg5[%dma_wait3A_219] : memref<1000000xi32, #tpu.memory_space<vmem_shared>> -> memref<1000000xi32, #tpu.memory_space<vmem_shared>>
    tpu.wait_indirect_dma semaphore(%arg15 : memref<!tpu.dma_semaphore, #tpu.memory_space<semaphore_mem>>) src(%dma_wait3A_220 : memref<1000000xi32, #tpu.memory_space<vmem_shared>>) dst(%arg9 : memref<10240xi32, #tpu.memory_space<vmem>>)
    %add3A_221 = arith.constant 61440 : i32
    %add3A_222 = arith.addi %mul3A_2, %add3A_221 : i32
    %dma_start3A_223 = tpu.memref_slice %arg4[%add3A_222] : memref<3276800xi32, #tpu.memory_space<hbm>> -> memref<10240xi32, #tpu.memory_space<hbm>>
    %dma_start3A_224 = tpu.memref_slice %arg4[%add3A_222] : memref<3276800xi32, #tpu.memory_space<hbm>> -> memref<10240xi32, #tpu.memory_space<hbm>>
    tpu.enqueue_dma source(%arg9 : memref<10240xi32, #tpu.memory_space<vmem>>) target(%dma_start3A_224 : memref<10240xi32, #tpu.memory_space<hbm>>) target_semaphore(%arg18 : memref<!tpu.dma_semaphore, #tpu.memory_space<semaphore_mem>>)
    %add3A_225 = arith.constant 92160 : i32
    %add3A_226 = arith.addi %mul3A_2, %add3A_225 : i32
    %dma_start3A_227 = tpu.memref_slice %arg3[%add3A_226] : memref<3276800xi32, #tpu.memory_space<hbm>> -> memref<10240xi32, #tpu.memory_space<hbm>>
    %dma_start3A_228 = tpu.memref_slice %arg3[%add3A_226] : memref<3276800xi32, #tpu.memory_space<hbm>> -> memref<10240xi32, #tpu.memory_space<hbm>>
    tpu.enqueue_dma source(%dma_start3A_228 : memref<10240xi32, #tpu.memory_space<hbm>>) target(%arg6 : memref<10240xi32, #tpu.memory_space<vmem>>) target_semaphore(%arg12 : memref<!tpu.dma_semaphore, #tpu.memory_space<semaphore_mem>>)
    %dma_wait3A_229 = tpu.memref_slice %arg3[%add3A_226] : memref<3276800xi32, #tpu.memory_space<hbm>> -> memref<10240xi32, #tpu.memory_space<hbm>>
    %dma_wait3A_230 = tpu.memref_slice %arg3[%add3A_226] : memref<3276800xi32, #tpu.memory_space<hbm>> -> memref<10240xi32, #tpu.memory_space<hbm>>
    tpu.wait_dma2 semaphore(%arg12 : memref<!tpu.dma_semaphore, #tpu.memory_space<semaphore_mem>>) src(%dma_wait3A_230 : memref<10240xi32, #tpu.memory_space<hbm>>) dst(%arg6 : memref<10240xi32, #tpu.memory_space<vmem>>)
    %dma_wait3A_231 = tpu.memref_slice %arg4[%add3A_222] : memref<3276800xi32, #tpu.memory_space<hbm>> -> memref<10240xi32, #tpu.memory_space<hbm>>
    %dma_wait3A_232 = tpu.memref_slice %arg4[%add3A_222] : memref<3276800xi32, #tpu.memory_space<hbm>> -> memref<10240xi32, #tpu.memory_space<hbm>>
    tpu.wait_dma2 semaphore(%arg18 : memref<!tpu.dma_semaphore, #tpu.memory_space<semaphore_mem>>) src(%arg9 : memref<10240xi32, #tpu.memory_space<vmem>>) dst(%dma_wait3A_232 : memref<10240xi32, #tpu.memory_space<hbm>>)
    %dma_start3A_233 = arith.constant 0 : i32
    %dma_start3A_234 = tpu.memref_slice %arg5[%dma_start3A_233] : memref<1000000xi32, #tpu.memory_space<vmem_shared>> -> memref<1000000xi32, #tpu.memory_space<vmem_shared>>
    tpu.enqueue_indirect_dma source(%dma_start3A_234 : memref<1000000xi32, #tpu.memory_space<vmem_shared>>) target(%arg9 : memref<10240xi32, #tpu.memory_space<vmem>>) offsets(%arg6 : memref<10240xi32, #tpu.memory_space<vmem>>) semaphore(%arg15 : memref<!tpu.dma_semaphore, #tpu.memory_space<semaphore_mem>>)
    %dma_wait3A_235 = arith.constant 0 : i32
    %dma_wait3A_236 = tpu.memref_slice %arg5[%dma_wait3A_235] : memref<1000000xi32, #tpu.memory_space<vmem_shared>> -> memref<1000000xi32, #tpu.memory_space<vmem_shared>>
    tpu.wait_indirect_dma semaphore(%arg16 : memref<!tpu.dma_semaphore, #tpu.memory_space<semaphore_mem>>) src(%dma_wait3A_236 : memref<1000000xi32, #tpu.memory_space<vmem_shared>>) dst(%arg10 : memref<10240xi32, #tpu.memory_space<vmem>>)
    %add3A_237 = arith.constant 71680 : i32
    %add3A_238 = arith.addi %mul3A_2, %add3A_237 : i32
    %dma_start3A_239 = tpu.memref_slice %arg4[%add3A_238] : memref<3276800xi32, #tpu.memory_space<hbm>> -> memref<10240xi32, #tpu.memory_space<hbm>>
    %dma_start3A_240 = tpu.memref_slice %arg4[%add3A_238] : memref<3276800xi32, #tpu.memory_space<hbm>> -> memref<10240xi32, #tpu.memory_space<hbm>>
    tpu.enqueue_dma source(%arg10 : memref<10240xi32, #tpu.memory_space<vmem>>) target(%dma_start3A_240 : memref<10240xi32, #tpu.memory_space<hbm>>) target_semaphore(%arg19 : memref<!tpu.dma_semaphore, #tpu.memory_space<semaphore_mem>>)
    %dma_wait3A_241 = arith.constant 0 : i32
    %dma_wait3A_242 = tpu.memref_slice %arg5[%dma_wait3A_241] : memref<1000000xi32, #tpu.memory_space<vmem_shared>> -> memref<1000000xi32, #tpu.memory_space<vmem_shared>>
    tpu.wait_indirect_dma semaphore(%arg17 : memref<!tpu.dma_semaphore, #tpu.memory_space<semaphore_mem>>) src(%dma_wait3A_242 : memref<1000000xi32, #tpu.memory_space<vmem_shared>>) dst(%arg11 : memref<10240xi32, #tpu.memory_space<vmem>>)
    %add3A_243 = arith.constant 81920 : i32
    %add3A_244 = arith.addi %mul3A_2, %add3A_243 : i32
    %dma_start3A_245 = tpu.memref_slice %arg4[%add3A_244] : memref<3276800xi32, #tpu.memory_space<hbm>> -> memref<10240xi32, #tpu.memory_space<hbm>>
    %dma_start3A_246 = tpu.memref_slice %arg4[%add3A_244] : memref<3276800xi32, #tpu.memory_space<hbm>> -> memref<10240xi32, #tpu.memory_space<hbm>>
    tpu.enqueue_dma source(%arg11 : memref<10240xi32, #tpu.memory_space<vmem>>) target(%dma_start3A_246 : memref<10240xi32, #tpu.memory_space<hbm>>) target_semaphore(%arg20 : memref<!tpu.dma_semaphore, #tpu.memory_space<semaphore_mem>>)
    %dma_wait3A_247 = arith.constant 0 : i32
    %dma_wait3A_248 = tpu.memref_slice %arg5[%dma_wait3A_247] : memref<1000000xi32, #tpu.memory_space<vmem_shared>> -> memref<1000000xi32, #tpu.memory_space<vmem_shared>>
    tpu.wait_indirect_dma semaphore(%arg15 : memref<!tpu.dma_semaphore, #tpu.memory_space<semaphore_mem>>) src(%dma_wait3A_248 : memref<1000000xi32, #tpu.memory_space<vmem_shared>>) dst(%arg9 : memref<10240xi32, #tpu.memory_space<vmem>>)
    %add3A_249 = arith.constant 92160 : i32
    %add3A_250 = arith.addi %mul3A_2, %add3A_249 : i32
    %dma_start3A_251 = tpu.memref_slice %arg4[%add3A_250] : memref<3276800xi32, #tpu.memory_space<hbm>> -> memref<10240xi32, #tpu.memory_space<hbm>>
    %dma_start3A_252 = tpu.memref_slice %arg4[%add3A_250] : memref<3276800xi32, #tpu.memory_space<hbm>> -> memref<10240xi32, #tpu.memory_space<hbm>>
    tpu.enqueue_dma source(%arg9 : memref<10240xi32, #tpu.memory_space<vmem>>) target(%dma_start3A_252 : memref<10240xi32, #tpu.memory_space<hbm>>) target_semaphore(%arg18 : memref<!tpu.dma_semaphore, #tpu.memory_space<semaphore_mem>>)
    %dma_wait3A_253 = tpu.memref_slice %arg4[%add3A_238] : memref<3276800xi32, #tpu.memory_space<hbm>> -> memref<10240xi32, #tpu.memory_space<hbm>>
    %dma_wait3A_254 = tpu.memref_slice %arg4[%add3A_238] : memref<3276800xi32, #tpu.memory_space<hbm>> -> memref<10240xi32, #tpu.memory_space<hbm>>
    tpu.wait_dma2 semaphore(%arg19 : memref<!tpu.dma_semaphore, #tpu.memory_space<semaphore_mem>>) src(%arg10 : memref<10240xi32, #tpu.memory_space<vmem>>) dst(%dma_wait3A_254 : memref<10240xi32, #tpu.memory_space<hbm>>)
    %dma_wait3A_255 = tpu.memref_slice %arg4[%add3A_244] : memref<3276800xi32, #tpu.memory_space<hbm>> -> memref<10240xi32, #tpu.memory_space<hbm>>
    %dma_wait3A_256 = tpu.memref_slice %arg4[%add3A_244] : memref<3276800xi32, #tpu.memory_space<hbm>> -> memref<10240xi32, #tpu.memory_space<hbm>>
    tpu.wait_dma2 semaphore(%arg20 : memref<!tpu.dma_semaphore, #tpu.memory_space<semaphore_mem>>) src(%arg11 : memref<10240xi32, #tpu.memory_space<vmem>>) dst(%dma_wait3A_256 : memref<10240xi32, #tpu.memory_space<hbm>>)
    %dma_wait3A_257 = tpu.memref_slice %arg4[%add3A_250] : memref<3276800xi32, #tpu.memory_space<hbm>> -> memref<10240xi32, #tpu.memory_space<hbm>>
    %dma_wait3A_258 = tpu.memref_slice %arg4[%add3A_250] : memref<3276800xi32, #tpu.memory_space<hbm>> -> memref<10240xi32, #tpu.memory_space<hbm>>
    tpu.wait_dma2 semaphore(%arg18 : memref<!tpu.dma_semaphore, #tpu.memory_space<semaphore_mem>>) src(%arg9 : memref<10240xi32, #tpu.memory_space<vmem>>) dst(%dma_wait3A_258 : memref<10240xi32, #tpu.memory_space<hbm>>)
    return
  }
}

</mosaic_0001>

<sc_bundles>
// kernel: kernel.3.cloned.1.call-start
scs
__scs_entry_jumppad:
0x0: {  	(pc) =	sbr.rel $0x88, $3  }
0x1: {  	(tag) =	ssettag $0x0;
	lr =	simm.s32 $0x1  }
0x2: {  	[smem:$0x3F9F] =	sst lr;
	_ =	strace $0xD0000000  }
0x3: {  	_ = 	snop  }
0x4: {  	_ = 	snop  }
0x5: {  	_ = 	snop  }
0x6: {  	_ = 	snop  }
0x7: {  	_ = 	snop  }
__scs_overlays_trampoline_lowered:
0x8: {  	[smem:$0x3FAE] =	sst s0  }
0x9: {  	[smem:$0x3FAF] =	sst s1  }
0xa: {  	[smem:$0x3FB0] =	sst s2  }
0xb: {  	[smem:$0x3FB1] =	sst s3  }
0xc: {  	[smem:$0x3FB2] =	sst s4  }
0xd: {  	[smem:$0x3FB3] =	sst s5  }
0xe: {  	[smem:$0x3FB4] =	sst s6  }
0xf: {  	[smem:$0x3FB5] =	sst s7  }
0x10: {  	[smem:$0x3FB6] =	sst s8  }
0x11: {  	[smem:$0x3FB7] =	sst s9;
	s0 =	simm.s32 @!p0 $0x0  }
0x12: {  	s1 =	sld [smem:$0x3F9D];
	s0 =	simm.s32 @p0 $0x1  }
0x13: {  	[smem:$0x3FB8] =	sst s0;
	s0 =	simm.s32 @!p1 $0x0  }
0x14: {  	s2 =	sld [smem:$0x3F9C];
	s0 =	simm.s32 @p1 $0x1  }
0x15: {  	[smem:$0x3FB9] =	sst s0;
	s0 =	simm.s32 @!p2 $0x0  }
0x16: {  	s3 =	sld [smem:$0x3FDB];
	s0 =	simm.s32 @p2 $0x1  }
0x17: {  	s4 =	simm.s32 $0x1BF5;
	[smem:$0x3FBB] =	sst s0  }
0x18: {  	s0 =	sld [smem:$0x3F9E];
	_ =	swait.ge [sflag:s4], $0x0  }
0x19: {  	s7 =	sld [smem:$0x3F9F]  }
0x1a: {  	s8 =	sadd.s32 $0xFFFFE003, lr  }
0x1b: {  	s9 =	sadd.s32 $0xFFFFFEF7, lr;
	s5 =	simm.s32 $0xFFFFFFFF;
	p2 =	slt.u32 s8, $0xFFFFF086  }
0x1c: {  	p1 =	slt.u32 s9, $0xF7A;
	s5 =	simm.s32 @!p2 $0x0  }
0x1d: {  	s5 =	simm.s32 @p1 $0x1;
	p0 =	seq.s32 s7, s2  }
0x1e: {  	s7 =	smul.u32 @!p0 $0xF7A, s2;
	p2 =	seq.s32 @!p0 s5, $0x0  }
0x1f: {  	s9 =	smul.u32 $0xF7A, s1;
	s8 =	simm.s32 @!p0 $0x1BF5;
	p2 =	por !p2, p0  }
0x20: {  	[sflag:s8] =	ssyncset.s32 @!p0 $0xFFFFF086;
	s6 =	sadd.s32 @!p0 s3, s7;
	s7 =	simm.s32 @!p0 $0x108  }
0x21: {  	s3 =	sadd.s32 s3, s9;
	s6 =	sadd.s32 @!p0 $0x88, s6;
	s7 =	simm.s32 @p2 $0x1082  }
0x22: {  	[simem:s7], [sflag:s8] =	dma.local @!p0 [hbm:s6], $0xF7A  }
0x23: {  	s9 =	sor.u32 $0xD0000000, s2;
	s6 =	simm.s32 $0x108;
	_ =	swait.ge @!p0 [sflag:s8], $0x0  }
0x24: {  	s3 =	sadd.s32 $0x88, s3;
	s6 =	simm.s32 @!p1 $0x1082;
	[sflag:s4] =	ssyncset.s32 $0xFFFFF086  }
0x25: {  	[simem:s6], [sflag:s4] =	dma.local [hbm:s3], $0xF7A  }
0x26: {  	[smem:$0x3F9F] =	sst s1;
	(tag) =	ssettag s2;
	_ =	strace s9  }
0x27: {  	s1 =	sld [smem:$0x3FAF]  }
0x28: {  	s2 =	sld [smem:$0x3FB0]  }
0x29: {  	s4 =	sld [smem:$0x3FB2]  }
0x2a: {  	p0 =	seq.s32 s5, $0x0;
	s5 =	sld [smem:$0x3FB3]  }
0x2b: {  	s6 =	sld [smem:$0x3FB4]  }
0x2c: {  	s7 =	sld [smem:$0x3FB5]  }
0x2d: {  	s3 =	simm.s32 $0x108;
	s8 =	sld [smem:$0x3FB6]  }
0x2e: {  	s3 =	simm.s32 @!p0 $0x1082;
	s9 =	sld [smem:$0x3FB7]  }
0x2f: {  	lr =	sadd.s32 s0, s3;
	s0 =	sld [smem:$0x3FAE]  }
0x30: {  	s3 =	sld [smem:$0x3FB1]  }
0x31: {  	[smem:$0x3FBA] =	sst s10  }
0x32: {  	s10 =	sld [smem:$0x3FB8];
	_ =	sdelay $0x3  }
0x33: {  	p0 =	seq.s32 s10, $0x1;
	s10 =	sld [smem:$0x3FBA];
	_ =	sdelay $0x3  }
0x34: {  	[smem:$0x3FBA] =	sst s10  }
0x35: {  	s10 =	sld [smem:$0x3FB9];
	_ =	sdelay $0x3  }
0x36: {  	p1 =	seq.s32 s10, $0x1;
	s10 =	sld [smem:$0x3FBA];
	_ =	sdelay $0x3  }
0x37: {  	[smem:$0x3FBA] =	sst s10  }
0x38: {  	s10 =	sld [smem:$0x3FBB]  }
0x39: {  	_ = 	snop;
	(pc) =	sbr.ind lr, $3  }
0x3a: {  	_ = 	snop  }
0x3b: {  	_ = 	snop  }
0x3c: {  	p2 =	seq.s32 s10, $0x1;
	s10 =	sld [smem:$0x3FBA]  }
0x3d: {  	_ =	shalt  }
0x3e: {  	_ =	shalt  }
0x3f: {  	_ =	shalt  }
0x40: {  	_ =	shalt  }
0x41: {  	_ =	shalt  }
0x42: {  	_ =	shalt  }
0x43: {  	_ =	shalt  }
0x44: {  	_ =	shalt  }
0x45: {  	_ =	shalt  }
0x46: {  	_ =	shalt  }
0x47: {  	_ =	shalt  }
0x48: {  	_ =	shalt  }
0x49: {  	_ =	shalt  }
0x4a: {  	_ =	shalt  }
0x4b: {  	_ =	shalt  }
0x4c: {  	_ =	shalt  }
0x4d: {  	_ =	shalt  }
0x4e: {  	_ =	shalt  }
0x4f: {  	_ =	shalt  }
0x50: {  	_ =	shalt  }
0x51: {  	_ =	shalt  }
0x52: {  	_ =	shalt  }
0x53: {  	_ =	shalt  }
0x54: {  	_ =	shalt  }
0x55: {  	_ =	shalt  }
0x56: {  	_ =	shalt  }
0x57: {  	_ =	shalt  }
0x58: {  	_ =	shalt  }
0x59: {  	_ =	shalt  }
0x5a: {  	_ =	shalt  }
0x5b: {  	_ =	shalt  }
0x5c: {  	_ =	shalt  }
0x5d: {  	_ =	shalt  }
0x5e: {  	_ =	shalt  }
0x5f: {  	_ =	shalt  }
0x60: {  	_ =	shalt  }
0x61: {  	_ =	shalt  }
0x62: {  	_ =	shalt  }
0x63: {  	_ =	shalt  }
0x64: {  	_ =	shalt  }
0x65: {  	_ =	shalt  }
0x66: {  	_ =	shalt  }
0x67: {  	_ =	shalt  }
0x68: {  	_ =	shalt  }
0x69: {  	_ =	shalt  }
0x6a: {  	_ =	shalt  }
0x6b: {  	_ =	shalt  }
0x6c: {  	_ =	shalt  }
0x6d: {  	_ =	shalt  }
0x6e: {  	_ =	shalt  }
0x6f: {  	_ =	shalt  }
0x70: {  	_ =	shalt  }
0x71: {  	_ =	shalt  }
0x72: {  	_ =	shalt  }
0x73: {  	_ =	shalt  }
0x74: {  	_ =	shalt  }
0x75: {  	_ =	shalt  }
0x76: {  	_ =	shalt  }
0x77: {  	_ =	shalt  }
0x78: {  	_ =	shalt  }
0x79: {  	_ =	shalt  }
0x7a: {  	_ =	shalt  }
0x7b: {  	_ =	shalt  }
0x7c: {  	_ =	shalt  }
0x7d: {  	_ =	shalt  }
0x7e: {  	_ =	shalt  }
0x7f: {  	_ =	shalt  }
0x80: {  	_ =	shalt  }
0x81: {  	_ =	shalt  }
0x82: {  	_ =	shalt  }
0x83: {  	_ =	shalt  }
0x84: {  	_ =	shalt  }
0x85: {  	_ =	shalt  }
0x86: {  	_ =	shalt  }
0x87: {  	_ =	shalt  }
.Lfunc_end0:
.L_simem_size_0:
called_computation_lowered:
.L_overlay_start_0:
0x88: {  	s2 =	sld [smem:$0x3FD9]  }
0x89: {  	s3 =	sld [smem:$0x3FFE];
	_ =	sdelay $0x1  }
0x8a: {  	s1 =	srdreg.scid  }
0x8b: {  	s0 =	sand.u32 $0x1, s1  }
0x8c: {  	s18 =	sshll.u32 s0, $0xA;
	s2 =	sadd.s32 s3, s2  }
0x8d: {  	s2 =	sadd.s32 s2, s18  }
0x8e: {  	[smem:$0x3FC6] =	sst s2  }
0x8f: {  	_ = 	snop  }
0x90: {  	s2 =	sld [smem:$0x3FC9]  }
0x91: {  	s19 =	sld [smem:$0x3FC8]  }
0x92: {  	s4 =	sld [smem:$0x3FD0];
	(tm) =	ssettm $0x1  }
0x93: {  	s5 =	sld [smem:$0x3FFB];
	_ =	sdelay $0x3  }
0x94: {  	_ =	strace s5  }
0x95: {  	s5 =	sld [smem:$0x3FFC];
	_ =	sdelay $0x3  }
0x96: {  	_ =	strace s5  }
0x97: {  	s5 =	sld [smem:$0x3FFD];
	_ =	sdelay $0x3  }
0x98: {  	_ =	strace s5  }
0x99: {  	_ =	strace $0x8FFFFFFF  }
0x9a: {  	s20 =	sld [smem:$0x3FDB];
	_ =	sdelay $0x1  }
0x9b: {  	s6 =	simm.s32 $_scs_section_size  }
0x9c: {  	s7 =	simm.s32 $_size__tile_overlayer_lowered;
	s8 =	simm.s32 $_tile_overlayer_lowered  }
0x9d: {  	s23 =	simm.s32 $0x1BFF;
	s22 =	sshll.u32 s8, $0x1;
	s5 =	sadd.s32 s6, s20  }
0x9e: {  	s9 =	simm.s32 $0x0;
	s21 =	sshll.u32 s7, $0x1;
	s7 =	sadd.s32 s22, s5  }
0x9f: {  	[timem:s9], [sflag:s23] =	dma.local [hbm:s7], s21  }
0xa0: {  	_ =	swait.ge [sflag:s23], s21  }
0xa1: {  	s6 =	ssub.s32 $0x0, s21;
	[sflag:s23] =	ssyncset.done $0x0  }
0xa2: {  	[sflag:s23] =	ssyncadd.s32 s6;
	_ =	sdelay $0x1  }
0xa3: {  	s24 =	simm.s32 $0x1B8B  }
0xa4: {  	_ =	swait.ge [sflag:s24], $0x1  }
0xa5: {  	[sflag:s24] =	ssyncset.done $0x0  }
0xa6: {  	s25 =	simm.s32 $0x1B8E;
	[sflag:s24] =	ssyncadd.s32 $0xFFFFFFFF  }
0xa7: {  	s26 =	simm.s32 $execute0_lowered;
	[smem:$0x3FD2] =	sst s25  }
0xa8: {  	s6 =	sshll.u32 s26, $0x1;
	_ =	strace $0x80000046;
	[dreg:$0x1] =	wrdreg $0xFFFFFFFF  }
0xa9: {  	s28 =	simm.s32 $_size_execute0_lowered;
	s5 =	sadd.s32 s5, s6;
	[dreg:$0x0] =	wrdreg $0x0  }
0xaa: {  	s6 =	sshll.u32 s28, $0x1;
	[dreg:$0x2] =	wrdreg s5  }
0xab: {  	[dreg:$0x3] =	wrdreg s6  }
0xac: {  	[dreg:$0x4] =	wrdreg $0xC0  }
0xad: {  	_ =	task [dreg:s9], $0x5FFFF  }
0xae: {  	[dreg:$0x1] =	wrdreg $0xFFFFFFFF  }
0xaf: {  	[dreg:$0x0] =	wrdreg $0x60  }
0xb0: {  	[dreg:$0x2] =	wrdreg s19  }
0xb1: {  	[dreg:$0x3] =	wrdreg s2  }
0xb2: {  	[dreg:$0x4] =	wrdreg s4  }
0xb3: {  	[dreg:$0x5] =	wrdreg $0x0  }
0xb4: {  	[dreg:$0x6] =	wrdreg $0x9  }
0xb5: {  	_ =	task.clear_ibuf [dreg:s9], $0x7FFFF;
	_ =	strace $0x90000046  }
0xb6: {  	s29 =	simm.s32 $0x9;
	_ =	strace $0x80000048  }
0xb7: {  	_ =	swait.ge [sflag:s29], $0x1  }
0xb8: {  	[sflag:s29] =	ssyncadd.s32 $0xFFFFFFFF  }
0xb9: {  	_ =	strace $0x90000048  }
0xba: {  	_ =	sfence  }
0xbb: {  	s30 =	sld [smem:$0x0];
	_ =	sdelay $0x2  }
0xbc: {  	s31 =	sshll.u32 s1, $0xD;
	s1 =	sshrl.u32 s1, $0x2  }
0xbd: {  	s3 =	sand.u32 $0x4000, s31;
	s1 =	sadd.s32 s1, s30  }
0xbe: {  	s0 =	sor.u32 s3, s0;
	s1 =	sshll.u32 s1, $0x11  }
0xbf: {  	s0 =	sor.u32 s1, s0  }
0xc0: {  	s0 =	sadd.s32 $0x8F2B, s0  }
0xc1: {  	[sflag:s0] =	ssyncadd.remote.s32 $0x1  }
0xc2: {  	_ =	sfence.sel $0xFFFF  }
0xc3: {  	[dreg:$0x0] =	wrdreg $0xFFFFFFFF;
	(pc) =	sbr.abs _section_cstart, $3  }
0xc4: {  	[dreg:$0x1] =	wrdreg $0xFFFFFFFF  }
0xc5: {  	_ =	task.clear_ibuf [dreg:s9], $0x2FFFF;
	_ =	strace $0x9FFFFFFF  }
0xc6: {  	(tm) =	ssettm $0x7FFFFFFF  }
0xc7: {  	_ =	shalt  }
tec
execute0_lowered:
.L_overlay_start_1:
0x0: {  	(tag) =	ssettag $0x1  }
0x1: {  	s0 =	rddreg [dreg:$0x0]  }
0x2: {  	s1 =	rddreg [dreg:$0x1]  }
0x3: {  	s2 =	srdreg.scid;
	s4 =	rddreg [dreg:$0x2]  }
0x4: {  	s28 =	stileid.u32;
	s3 =	rddreg [dreg:$0x3]  }
0x5: {  	s29 =	rddreg [dreg:$0x4];
	s6 =	sand.u32 $0x1, s2;
	s19 =	sshll.u32 s28, $0x1  }
0x6: {  	p1 =	por $0x0, $0x0;
	s10 =	smul.u32 $0x2800, s28;
	s2 =	sor.u32 s6, s19  }
0x7: {  	p0 =	sgt.u32 s28, $0x7;
	s6 =	ssub.s32 $0x2, s6;
	s5 =	smul.u32 $0x19000, s2  }
0x8: {  	s2 =	simm.s32 $0x0;
	s21 =	sshrl.u32 s10, $0x3;
	s11 =	sadd.s32 $0x28000, s10  }
0x9: {  	s13 =	sadd.s32 $0x50000, s10;
	s25 =	sadd.s32 $0x78000, s10;
	s26 =	sadd.s32 s10, s3  }
0xa: {  	s31 =	sadd.s32 $0xA0000, s10;
	[smem:$0x7FF] =	sst s2;
	s12 =	sshrl.u32 s11, $0x3  }
0xb: {  	s11 =	sadd.s32 s11, s3;
	_ =	strace $0x80000047;
	[dreg:$0xb] =	wrdreg s26  }
0xc: {  	s10 =	sadd.s32 $0xC8000, s10;
	s17 =	sadd.s32 s13, s3;
	[dreg:$0xd] =	wrdreg s11  }
0xd: {  	s23 =	sshrl.u32 s13, $0x3;
	s22 =	sadd.s32 s0, s12;
	[dreg:$0xf] =	wrdreg s17  }
0xe: {  	s14 =	sshrl.u32 s25, $0x3;
	s24 =	sadd.s32 s0, s23;
	[dreg:$0x9] =	wrdreg s22  }
0xf: {  	s15 =	sshrl.u32 s31, $0x3;
	s30 =	sadd.s32 s0, s14;
	[dreg:$0xa] =	wrdreg s24  }
0x10: {  	s18 =	sshrl.u32 s10, $0x3;
	s16 =	sadd.s32 s0, s15;
	[dreg:$0xc] =	wrdreg s30  }
0x11: {  	s5 =	sshrl.u32 s5, $0x3;
	s19 =	sadd.s32 s0, s18;
	[dreg:$0xe] =	wrdreg s16  }
0x12: {  	s23 =	sadd.s32 s10, s3;
	s7 =	sadd.s32 s1, s5;
	[dreg:$0x10] =	wrdreg s19  }
0x13: {  	s9 =	sadd.s32 $0xA00, s5;
	s22 =	sadd.s32 s31, s3;
	[dreg:$0x13] =	wrdreg s23  }
0x14: {  	s26 =	sadd.s32 s4, s5;
	s30 =	sadd.s32 $0xF00, s5;
	[dreg:$0x5] =	wrdreg s7  }
0x15: {  	s14 =	sadd.s32 $0x1900, s5;
	s17 =	sadd.s32 $0x1E00, s5;
	[dreg:$0x12] =	wrdreg s22  }
0x16: {  	s7 =	sadd.s32 $0x500, s5;
	s20 =	sadd.s32 s1, s9;
	[dreg:$0x16] =	wrdreg s26  }
0x17: {  	s31 =	sadd.s32 s1, s30;
	s13 =	sadd.s32 s4, s9;
	[dreg:$0x7] =	wrdreg s20  }
0x18: {  	s15 =	sadd.s32 s1, s14;
	s16 =	sadd.s32 s4, s30;
	[dreg:$0x17] =	wrdreg s31  }
0x19: {  	s18 =	sadd.s32 s1, s17;
	s23 =	sadd.s32 s4, s14;
	[dreg:$0x1a] =	wrdreg s13  }
0x1a: {  	s26 =	sadd.s32 s4, s17;
	s30 =	sadd.s32 $0x2D00, s5;
	[dreg:$0x1b] =	wrdreg s15  }
0x1b: {  	s14 =	simm.s32 $0x6;
	s9 =	simm.s32 $0x7;
	[dreg:$0x1c] =	wrdreg s16  }
0x1c: {  	s17 =	simm.s32 $0x8;
	s8 =	sadd.s32 s1, s7;
	[dreg:$0x1d] =	wrdreg s18  }
0x1d: {  	s20 =	smul.u32 $0x848, s28;
	s10 =	sadd.s32 s4, s7;
	[smem:$0x7FB] =	sst s23  }
0x1e: {  	[smem:$0x7FD] =	sst s26;
	s13 =	sadd.s32 s1, s30;
	s7 =	simm.s32 $0x16C28  }
0x1f: {  	s26 =	simm.s32 $0xA;
	s16 =	simm.s32 $0x5;
	[dreg:$0x6] =	wrdreg s8  }
0x20: {  	s18 =	simm.s32 $0x2800;
	s8 =	sadd.s32 s0, s21;
	[dreg:$0x18] =	wrdreg s10  }
0x21: {  	s23 =	simm.s32 $0x2;
	s21 =	sadd.s32 s25, s3;
	[dreg:$0x8] =	wrdreg s8  }
0x22: {  	s15 =	simm.s32 $0x9;
	[dreg:$0x11] =	wrdreg s21;
	s11 =	sor.u32 $0xF0000, s20  }
0x23: {  	s20 =	sadd.s32 $0x2300, s5;
	s21 =	sshrl.u32 s6, $0x1;
	s8 =	simm.s32 $0x4  }
0x24: {  	s24 =	sshrl.u32 s11, $0x3;
	s25 =	sadd.s32 s11, s3;
	s11 =	sadd.s32 $0x1400, s5  }
0x25: {  	s22 =	sadd.s32 s1, s20;
	s10 =	ssub.s32 s6, s21;
	s6 =	sadd.s32 s4, s20  }
0x26: {  	s21 =	simm.s32 $0x11C28;
	s20 =	simm.s32 $0x1;
	s0 =	sadd.s32 s0, s24  }
0x27: {  	[dreg:$0x15] =	wrdreg s25;
	s24 =	sadd.s32 $0x2800, s5;
	s31 =	smax.u32 s10, $0x1  }
0x28: {  	s12 =	sadd.s32 s1, s11;
	s25 =	sadd.s32 s1, s24;
	s1 =	sadd.s32 $0xFFFFFFFF, s31  }
0x29: {  	s19 =	sadd.s32 s4, s11;
	[dreg:$0x1f] =	wrdreg s22;
	p2 =	sne.s32 s1, $0x0  }
.Ltmp0:
0x2a: {  	s11 =	simm.s32 $0xF428;
	[dreg:$0x14] =	wrdreg s0;
	(pc) =	sbr.rel @!p2 .LBB2_5-.Ltmp0, $4  }
0x2b: {  	s10 =	simm.s32 $0x1BC28;
	s22 =	simm.s32 $0x3;
	[dreg:$0x19] =	wrdreg s12  }
0x2c: {  	[dreg:$0x1e] =	wrdreg s19;
	s5 =	sadd.s32 s4, s24;
	s4 =	sadd.s32 s4, s30  }
0x2d: {  	s19 =	simm.s32 $0x14428;
	s12 =	simm.s32 $0x19428;
	s0 =	rddreg [dreg:$0x5]  }
0x2e: {  	s24 =	simm.s32 $0xC;
	[smem:$0x7FC] =	sst s25;
	s25 =	simm.s32 $0xB  }
0x2f: {  	[tilespmem:s11], [sflag:$0x1] =	stream.linear.gather [hbm4b:s0+s2], $0x2800, $0x38;
	[tilespmem:$0x1E428] =	vst v63  }
0x30: {  	s28 =	rddreg [dreg:$0x6]  }
0x31: {  	[tilespmem:s21], [sflag:$0x2] =	stream.linear.gather [hbm4b:s28+s2], $0x2800, $0x38;
	[tilespmem:$0x1E428] =	vst v63  }
0x32: {  	s29 =	rddreg [dreg:$0x7]  }
0x33: {  	[tilespmem:s19], [sflag:$0x3] =	stream.linear.gather [hbm4b:s29+s2], $0x2800, $0x38;
	[tilespmem:$0x1E428] =	vst v63  }
0x34: {  	s28 =	rddreg [dreg:$0x8]  }
0x35: {  	[tilespmem:s7], [sflag:$0x4] =	stream.linear.gather [hbm4b:s28+s2], $0x2800, $0x38;
	[tilespmem:$0x1E428] =	vst v63  }
0x36: {  	s29 =	rddreg [dreg:$0x9]  }
0x37: {  	[tilespmem:s12], [sflag:$0x5] =	stream.linear.gather [hbm4b:s29+s2], $0x2800, $0x38;
	[tilespmem:$0x1E428] =	vst v63  }
0x38: {  	s28 =	rddreg [dreg:$0xa]  }
0x39: {  	[tilespmem:s10], [sflag:$0x6] =	stream.linear.gather [hbm4b:s28+s2], $0x2800, $0x38;
	[tilespmem:$0x1E428] =	vst v63  }
0x3a: {  	_ =	swait.ge [sflag:s8], $0x2800  }
0x3b: {  	[sflag:s8] =	ssyncset.done $0x0  }
0x3c: {  	s29 =	rddreg [dreg:$0xb];
	[sflag:s8] =	ssyncadd.s32 $0xFFFFD800  }
0x3d: {  	[spmem:s29] =	stream.linear.scatter [tilespmem:s7], [sflag:$0xA], $0x2800, $0x38;
	[tilespmem:$0x1E428] =	vst v63  }
0x3e: {  	_ =	swait.ge [sflag:s26], $0x2800  }
0x3f: {  	[sflag:s26] =	ssyncset.done $0x0  }
0x40: {  	s29 =	rddreg [dreg:$0xc];
	[sflag:s26] =	ssyncadd.s32 $0xFFFFD800  }
0x41: {  	[tilespmem:s7], [sflag:$0x4] =	stream.linear.gather [hbm4b:s29+s2], $0x2800, $0x38;
	[tilespmem:$0x1E428] =	vst v63  }
0x42: {  	_ =	swait.ge [sflag:s16], $0x2800  }
0x43: {  	[sflag:s16] =	ssyncset.done $0x0  }
0x44: {  	s29 =	rddreg [dreg:$0xd];
	[sflag:s16] =	ssyncadd.s32 $0xFFFFD800  }
0x45: {  	[spmem:s29] =	stream.linear.scatter [tilespmem:s12], [sflag:$0xB], $0x2800, $0x38;
	[tilespmem:$0x1E428] =	vst v63  }
0x46: {  	_ =	swait.ge [sflag:s25], $0x2800  }
0x47: {  	[sflag:s25] =	ssyncset.done $0x0  }
0x48: {  	s29 =	rddreg [dreg:$0xe];
	[sflag:s25] =	ssyncadd.s32 $0xFFFFD800  }
0x49: {  	[tilespmem:s12], [sflag:$0x5] =	stream.linear.gather [hbm4b:s29+s2], $0x2800, $0x38;
	[tilespmem:$0x1E428] =	vst v63  }
0x4a: {  	_ =	swait.ge [sflag:s14], $0x2800  }
0x4b: {  	[sflag:s14] =	ssyncset.done $0x0  }
0x4c: {  	s29 =	rddreg [dreg:$0xf];
	[sflag:s14] =	ssyncadd.s32 $0xFFFFD800  }
0x4d: {  	[spmem:s29] =	stream.linear.scatter [tilespmem:s10], [sflag:$0xC], $0x2800, $0x38;
	[tilespmem:$0x1E428] =	vst v63  }
0x4e: {  	_ =	swait.ge [sflag:s24], $0x2800  }
0x4f: {  	[sflag:s24] =	ssyncset.done $0x0  }
0x50: {  	s29 =	rddreg [dreg:$0x10];
	[sflag:s24] =	ssyncadd.s32 $0xFFFFD800  }
0x51: {  	[tilespmem:s10], [sflag:$0x6] =	stream.linear.gather [hbm4b:s29+s2], $0x2800, $0x38;
	[tilespmem:$0x1E428] =	vst v63  }
0x52: {  	_ =	swait.ge [sflag:s8], $0x2800  }
0x53: {  	[sflag:s8] =	ssyncset.done $0x0  }
0x54: {  	s29 =	rddreg [dreg:$0x11];
	[sflag:s8] =	ssyncadd.s32 $0xFFFFD800  }
0x55: {  	[spmem:s29] =	stream.linear.scatter [tilespmem:s7], [sflag:$0xA], $0x2800, $0x38;
	[tilespmem:$0x1E428] =	vst v63  }
0x56: {  	_ =	swait.ge [sflag:s16], $0x2800  }
0x57: {  	[sflag:s16] =	ssyncset.done $0x0  }
0x58: {  	s29 =	rddreg [dreg:$0x12];
	[sflag:s16] =	ssyncadd.s32 $0xFFFFD800  }
0x59: {  	[spmem:s29] =	stream.linear.scatter [tilespmem:s12], [sflag:$0xB], $0x2800, $0x38;
	[tilespmem:$0x1E428] =	vst v63  }
0x5a: {  	_ =	swait.ge [sflag:s14], $0x2800  }
0x5b: {  	[sflag:s14] =	ssyncset.done $0x0  }
0x5c: {  	s29 =	rddreg [dreg:$0x13];
	[sflag:s14] =	ssyncadd.s32 $0xFFFFD800  }
0x5d: {  	[spmem:s29] =	stream.linear.scatter [tilespmem:s10], [sflag:$0xC], $0x2800, $0x38;
	[tilespmem:$0x1E428] =	vst v63  }
0x5e: {  	_ =	swait.ge [sflag:s26], $0x2800  }
0x5f: {  	[sflag:s26] =	ssyncset.done $0x0  }
0x60: {  	[sflag:s26] =	ssyncadd.s32 $0xFFFFD800  }
0x61: {  	_ =	swait.ge [sflag:s25], $0x2800  }
0x62: {  	[sflag:s25] =	ssyncset.done $0x0  }
0x63: {  	[sflag:s25] =	ssyncadd.s32 $0xFFFFD800  }
0x64: {  	s30 =	simm.s32 @!p0 $0x16C28;
	_ =	swait.ge [sflag:s24], $0x2800  }
0x65: {  	s28 =	simm.s32 @!p0 $0x4;
	s29 =	smov.u32 s1;
	[sflag:s24] =	ssyncset.done $0x0  }
0x66: {  	s1 =	simm.s32 @!p0 $0x0;
	s0 =	rddreg [dreg:$0x14];
	[sflag:s24] =	ssyncadd.s32 $0xFFFFD800  }
0x67: {  	[tilespmem:s30], [sflag:$0x4] =	stream.linear.gather @!p0 [hbm4b:s0+s1], $0x848, $0x38;
	[tilespmem:$0x1E428] =	vst v63  }
0x68: {  	_ =	swait.ge @!p0 [sflag:s28], $0x848  }
0x69: {  	[sflag:s28] =	ssyncset.done @!p0 $0x0  }
0x6a: {  	s31 =	simm.s32 @!p0 $0xA;
	s0 =	rddreg [dreg:$0x15];
	[sflag:s28] =	ssyncadd.s32 @!p0 $0xFFFFF7B8  }
0x6b: {  	[spmem:s0] =	stream.linear.scatter @!p0 [tilespmem:s30], [sflag:$0xA], $0x848, $0x38;
	[tilespmem:$0x1E428] =	vst v63  }
0x6c: {  	_ =	swait.ge @!p0 [sflag:s31], $0x848  }
0x6d: {  	[sflag:s31] =	ssyncset.done @!p0 $0x0  }
0x6e: {  	[sflag:s31] =	ssyncadd.s32 @!p0 $0xFFFFF7B8  }
0x6f: {  	[bflag:$0x0] =	sbarrier.arrive $0xFFFF  }
0x70: {  	_ =	swait.ge [sflag:s20], $0x2800  }
0x71: {  	[sflag:s20] =	ssyncset.done $0x0  }
0x72: {  	[sflag:s20] =	ssyncadd.s32 $0xFFFFD800  }
0x73: {  	[tilespmem:s7], [sflag:$0x4] =	stream.indirect.gather [spmem:s3], $0x1, s11, s18, $0xb8;
	[tilespmem:$0x1E428] =	vst v63  }
0x74: {  	_ =	swait.ge [sflag:s23], $0x2800  }
0x75: {  	[sflag:s23] =	ssyncset.done $0x0  }
0x76: {  	[sflag:s23] =	ssyncadd.s32 $0xFFFFD800  }
0x77: {  	[tilespmem:s12], [sflag:$0x5] =	stream.indirect.gather [spmem:s3], $0x1, s21, s18, $0xb8;
	[tilespmem:$0x1E428] =	vst v63  }
0x78: {  	_ =	swait.ge [sflag:s22], $0x2800  }
0x79: {  	[sflag:s22] =	ssyncset.done $0x0  }
0x7a: {  	[sflag:s22] =	ssyncadd.s32 $0xFFFFD800  }
0x7b: {  	[tilespmem:s10], [sflag:$0x6] =	stream.indirect.gather [spmem:s3], $0x1, s19, s18, $0xb8;
	[tilespmem:$0x1E428] =	vst v63  }
0x7c: {  	_ =	swait.ge [sflag:s8], $0x2800  }
0x7d: {  	[sflag:s8] =	ssyncset.done $0x0  }
0x7e: {  	s0 =	rddreg [dreg:$0x16];
	[sflag:s8] =	ssyncadd.s32 $0xFFFFD800  }
0x7f: {  	[hbm4b:s0+s2] =	stream.linear.scatter [tilespmem:s7], [sflag:$0x7], $0x2800, $0x38;
	[tilespmem:$0x1E428] =	vst v63  }
0x80: {  	s1 =	rddreg [dreg:$0x17]  }
0x81: {  	[tilespmem:s11], [sflag:$0x1] =	stream.linear.gather [hbm4b:s1+s2], $0x2800, $0x38;
	[tilespmem:$0x1E428] =	vst v63  }
0x82: {  	_ =	swait.ge [sflag:s20], $0x2800  }
0x83: {  	[sflag:s20] =	ssyncset.done $0x0  }
0x84: {  	[sflag:s20] =	ssyncadd.s32 $0xFFFFD800  }
0x85: {  	_ =	swait.ge [sflag:s9], $0x2800  }
0x86: {  	[sflag:s9] =	ssyncset.done $0x0  }
0x87: {  	[sflag:s9] =	ssyncadd.s32 $0xFFFFD800  }
0x88: {  	[tilespmem:s7], [sflag:$0x4] =	stream.indirect.gather [spmem:s3], $0x1, s11, s18, $0xb8;
	[tilespmem:$0x1E428] =	vst v63  }
0x89: {  	_ =	swait.ge [sflag:s16], $0x2800  }
0x8a: {  	[sflag:s16] =	ssyncset.done $0x0  }
0x8b: {  	s0 =	rddreg [dreg:$0x18];
	[sflag:s16] =	ssyncadd.s32 $0xFFFFD800  }
0x8c: {  	[hbm4b:s0+s2] =	stream.linear.scatter [tilespmem:s12], [sflag:$0x8], $0x2800, $0x38;
	[tilespmem:$0x1E428] =	vst v63  }
0x8d: {  	s1 =	rddreg [dreg:$0x19]  }
0x8e: {  	[tilespmem:s21], [sflag:$0x2] =	stream.linear.gather [hbm4b:s1+s2], $0x2800, $0x38;
	[tilespmem:$0x1E428] =	vst v63  }
0x8f: {  	_ =	swait.ge [sflag:s23], $0x2800  }
0x90: {  	[sflag:s23] =	ssyncset.done $0x0  }
0x91: {  	[sflag:s23] =	ssyncadd.s32 $0xFFFFD800  }
0x92: {  	_ =	swait.ge [sflag:s17], $0x2800  }
0x93: {  	[sflag:s17] =	ssyncset.done $0x0  }
0x94: {  	[sflag:s17] =	ssyncadd.s32 $0xFFFFD800  }
0x95: {  	[tilespmem:s12], [sflag:$0x5] =	stream.indirect.gather [spmem:s3], $0x1, s21, s18, $0xb8;
	[tilespmem:$0x1E428] =	vst v63  }
0x96: {  	_ =	swait.ge [sflag:s14], $0x2800  }
0x97: {  	[sflag:s14] =	ssyncset.done $0x0  }
0x98: {  	s0 =	rddreg [dreg:$0x1a];
	[sflag:s14] =	ssyncadd.s32 $0xFFFFD800  }
0x99: {  	[hbm4b:s0+s2] =	stream.linear.scatter [tilespmem:s10], [sflag:$0x9], $0x2800, $0x38;
	[tilespmem:$0x1E428] =	vst v63  }
0x9a: {  	s1 =	rddreg [dreg:$0x1b]  }
0x9b: {  	[tilespmem:s19], [sflag:$0x3] =	stream.linear.gather [hbm4b:s1+s2], $0x2800, $0x38;
	[tilespmem:$0x1E428] =	vst v63  }
0x9c: {  	_ =	swait.ge [sflag:s22], $0x2800  }
0x9d: {  	[sflag:s22] =	ssyncset.done $0x0  }
0x9e: {  	[sflag:s22] =	ssyncadd.s32 $0xFFFFD800  }
0x9f: {  	_ =	swait.ge [sflag:s15], $0x2800  }
0xa0: {  	[sflag:s15] =	ssyncset.done $0x0  }
0xa1: {  	[sflag:s15] =	ssyncadd.s32 $0xFFFFD800  }
0xa2: {  	[tilespmem:s10], [sflag:$0x6] =	stream.indirect.gather [spmem:s3], $0x1, s19, s18, $0xb8;
	[tilespmem:$0x1E428] =	vst v63  }
0xa3: {  	_ =	swait.ge [sflag:s8], $0x2800  }
0xa4: {  	[sflag:s8] =	ssyncset.done $0x0  }
0xa5: {  	s0 =	rddreg [dreg:$0x1c];
	[sflag:s8] =	ssyncadd.s32 $0xFFFFD800  }
0xa6: {  	[hbm4b:s0+s2] =	stream.linear.scatter [tilespmem:s7], [sflag:$0x7], $0x2800, $0x38;
	[tilespmem:$0x1E428] =	vst v63  }
0xa7: {  	s1 =	rddreg [dreg:$0x1d]  }
0xa8: {  	[tilespmem:s11], [sflag:$0x1] =	stream.linear.gather [hbm4b:s1+s2], $0x2800, $0x38;
	[tilespmem:$0x1E428] =	vst v63  }
0xa9: {  	_ =	swait.ge [sflag:s20], $0x2800  }
0xaa: {  	[sflag:s20] =	ssyncset.done $0x0  }
0xab: {  	[sflag:s20] =	ssyncadd.s32 $0xFFFFD800  }
0xac: {  	_ =	swait.ge [sflag:s9], $0x2800  }
0xad: {  	[sflag:s9] =	ssyncset.done $0x0  }
0xae: {  	[sflag:s9] =	ssyncadd.s32 $0xFFFFD800  }
0xaf: {  	[tilespmem:s7], [sflag:$0x4] =	stream.indirect.gather [spmem:s3], $0x1, s11, s18, $0xb8;
	[tilespmem:$0x1E428] =	vst v63  }
0xb0: {  	_ =	swait.ge [sflag:s16], $0x2800  }
0xb1: {  	[sflag:s16] =	ssyncset.done $0x0  }
0xb2: {  	s0 =	rddreg [dreg:$0x1e];
	[sflag:s16] =	ssyncadd.s32 $0xFFFFD800  }
0xb3: {  	[hbm4b:s0+s2] =	stream.linear.scatter [tilespmem:s12], [sflag:$0x8], $0x2800, $0x38;
	[tilespmem:$0x1E428] =	vst v63  }
0xb4: {  	s1 =	rddreg [dreg:$0x1f]  }
0xb5: {  	[tilespmem:s21], [sflag:$0x2] =	stream.linear.gather [hbm4b:s1+s2], $0x2800, $0x38;
	[tilespmem:$0x1E428] =	vst v63  }
0xb6: {  	_ =	swait.ge [sflag:s23], $0x2800  }
0xb7: {  	[sflag:s23] =	ssyncset.done $0x0  }
0xb8: {  	[sflag:s23] =	ssyncadd.s32 $0xFFFFD800  }
0xb9: {  	_ =	swait.ge [sflag:s17], $0x2800  }
0xba: {  	[sflag:s17] =	ssyncset.done $0x0  }
0xbb: {  	[sflag:s17] =	ssyncadd.s32 $0xFFFFD800  }
0xbc: {  	[tilespmem:s12], [sflag:$0x5] =	stream.indirect.gather [spmem:s3], $0x1, s21, s18, $0xb8;
	[tilespmem:$0x1E428] =	vst v63  }
0xbd: {  	_ =	swait.ge [sflag:s14], $0x2800  }
0xbe: {  	s0 =	sld [smem:$0x7FB]  }
0xbf: {  	[sflag:s14] =	ssyncset.done $0x0  }
0xc0: {  	s1 =	sld [smem:$0x7FC];
	[sflag:s14] =	ssyncadd.s32 $0xFFFFD800  }
0xc1: {  	[hbm4b:s0+s2] =	stream.linear.scatter [tilespmem:s10], [sflag:$0x9], $0x2800, $0x38;
	[tilespmem:$0x1E428] =	vst v63  }
0xc2: {  	_ = 	snop  }
0xc3: {  	[tilespmem:s19], [sflag:$0x3] =	stream.linear.gather [hbm4b:s1+s2], $0x2800, $0x38;
	[tilespmem:$0x1E428] =	vst v63  }
0xc4: {  	_ =	swait.ge [sflag:s22], $0x2800  }
0xc5: {  	[sflag:s22] =	ssyncset.done $0x0  }
0xc6: {  	[sflag:s22] =	ssyncadd.s32 $0xFFFFD800  }
0xc7: {  	_ =	swait.ge [sflag:s15], $0x2800  }
0xc8: {  	[sflag:s15] =	ssyncset.done $0x0  }
0xc9: {  	[sflag:s15] =	ssyncadd.s32 $0xFFFFD800  }
0xca: {  	[tilespmem:s10], [sflag:$0x6] =	stream.indirect.gather [spmem:s3], $0x1, s19, s18, $0xb8;
	[tilespmem:$0x1E428] =	vst v63  }
0xcb: {  	_ =	swait.ge [sflag:s8], $0x2800  }
0xcc: {  	s1 =	sld [smem:$0x7FD]  }
0xcd: {  	[sflag:s8] =	ssyncset.done $0x0  }
0xce: {  	[sflag:s8] =	ssyncadd.s32 $0xFFFFD800  }
0xcf: {  	[hbm4b:s1+s2] =	stream.linear.scatter [tilespmem:s7], [sflag:$0x7], $0x2800, $0x38;
	[tilespmem:$0x1E428] =	vst v63  }
0xd0: {  	_ = 	snop  }
0xd1: {  	[tilespmem:s11], [sflag:$0x1] =	stream.linear.gather [hbm4b:s13+s2], $0x2800, $0x38;
	[tilespmem:$0x1E428] =	vst v63  }
0xd2: {  	_ =	swait.ge [sflag:s20], $0x2800  }
0xd3: {  	[sflag:s20] =	ssyncset.done $0x0  }
0xd4: {  	[sflag:s20] =	ssyncadd.s32 $0xFFFFD800  }
0xd5: {  	_ =	swait.ge [sflag:s9], $0x2800  }
0xd6: {  	[sflag:s9] =	ssyncset.done $0x0  }
0xd7: {  	[sflag:s9] =	ssyncadd.s32 $0xFFFFD800  }
0xd8: {  	[tilespmem:s7], [sflag:$0x4] =	stream.indirect.gather [spmem:s3], $0x1, s11, s18, $0xb8;
	[tilespmem:$0x1E428] =	vst v63  }
0xd9: {  	_ =	swait.ge [sflag:s16], $0x2800  }
0xda: {  	[sflag:s16] =	ssyncset.done $0x0  }
0xdb: {  	[sflag:s16] =	ssyncadd.s32 $0xFFFFD800  }
0xdc: {  	[hbm4b:s6+s2] =	stream.linear.scatter [tilespmem:s12], [sflag:$0x8], $0x2800, $0x38;
	[tilespmem:$0x1E428] =	vst v63  }
0xdd: {  	_ =	swait.ge [sflag:s14], $0x2800  }
0xde: {  	[sflag:s14] =	ssyncset.done $0x0  }
0xdf: {  	[sflag:s14] =	ssyncadd.s32 $0xFFFFD800  }
0xe0: {  	[hbm4b:s5+s2] =	stream.linear.scatter [tilespmem:s10], [sflag:$0x9], $0x2800, $0x38;
	[tilespmem:$0x1E428] =	vst v63  }
0xe1: {  	_ =	swait.ge [sflag:s8], $0x2800  }
0xe2: {  	[sflag:s8] =	ssyncset.done $0x0  }
0xe3: {  	[sflag:s8] =	ssyncadd.s32 $0xFFFFD800  }
0xe4: {  	[hbm4b:s4+s2] =	stream.linear.scatter [tilespmem:s7], [sflag:$0x7], $0x2800, $0x38;
	[tilespmem:$0x1E428] =	vst v63  }
0xe5: {  	_ =	swait.ge [sflag:s17], $0x2800  }
0xe6: {  	s1 =	sadd.s32 $0xFFFFFFFF, s29;
	[sflag:s17] =	ssyncset.done $0x0  }
0xe7: {  	p2 =	sne.s32 s1, $0x0;
	[sflag:s17] =	ssyncadd.s32 $0xFFFFD800  }
.Ltmp1:
0xe8: {  	_ =	swait.ge [sflag:s15], $0x2800;
	(pc) =	sbr.rel @!p2 .LBB2_2-.Ltmp1, $4  }
0xe9: {  	[sflag:s15] =	ssyncset.done $0x0  }
0xea: {  	[sflag:s15] =	ssyncadd.s32 $0xFFFFD800  }
0xeb: {  	_ =	swait.ge [sflag:s9], $0x2800  }
0xec: {  	p1 =	por $0x1, $0x1;
	s0 =	rddreg [dreg:$0x5];
	[sflag:s9] =	ssyncset.done $0x0  }
.LBB2_3:
0xed: {  	[sflag:s9] =	ssyncadd.s32 $0xFFFFD800  }
0xee: {  	[tilespmem:s11], [sflag:$0x1] =	stream.linear.gather [hbm4b:s0+s2], $0x2800, $0x38;
	[tilespmem:$0x1E428] =	vst v63  }
0xef: {  	s29 =	rddreg [dreg:$0x6]  }
0xf0: {  	[tilespmem:s21], [sflag:$0x2] =	stream.linear.gather [hbm4b:s29+s2], $0x2800, $0x38;
	[tilespmem:$0x1E428] =	vst v63  }
0xf1: {  	s0 =	rddreg [dreg:$0x7]  }
0xf2: {  	[tilespmem:s19], [sflag:$0x3] =	stream.linear.gather [hbm4b:s0+s2], $0x2800, $0x38;
	[tilespmem:$0x1E428] =	vst v63  }
0xf3: {  	s29 =	rddreg [dreg:$0x8]  }
0xf4: {  	[tilespmem:s7], [sflag:$0x4] =	stream.linear.gather [hbm4b:s29+s2], $0x2800, $0x38;
	[tilespmem:$0x1E428] =	vst v63  }
0xf5: {  	s0 =	rddreg [dreg:$0x9]  }
0xf6: {  	[tilespmem:s12], [sflag:$0x5] =	stream.linear.gather [hbm4b:s0+s2], $0x2800, $0x38;
	[tilespmem:$0x1E428] =	vst v63  }
0xf7: {  	s29 =	rddreg [dreg:$0xa]  }
0xf8: {  	[tilespmem:s10], [sflag:$0x6] =	stream.linear.gather [hbm4b:s29+s2], $0x2800, $0x38;
	[tilespmem:$0x1E428] =	vst v63  }
0xf9: {  	_ =	swait.ge [sflag:s8], $0x2800  }
0xfa: {  	[sflag:s8] =	ssyncset.done $0x0  }
0xfb: {  	s29 =	rddreg [dreg:$0xb];
	[sflag:s8] =	ssyncadd.s32 $0xFFFFD800  }
0xfc: {  	[spmem:s29] =	stream.linear.scatter [tilespmem:s7], [sflag:$0xA], $0x2800, $0x38;
	[tilespmem:$0x1E428] =	vst v63  }
0xfd: {  	_ =	swait.ge [sflag:s26], $0x2800  }
0xfe: {  	[sflag:s26] =	ssyncset.done $0x0  }
0xff: {  	s29 =	rddreg [dreg:$0xc];
	[sflag:s26] =	ssyncadd.s32 $0xFFFFD800  }
0x100: {  	[tilespmem:s7], [sflag:$0x4] =	stream.linear.gather [hbm4b:s29+s2], $0x2800, $0x38;
	[tilespmem:$0x1E428] =	vst v63  }
0x101: {  	_ =	swait.ge [sflag:s16], $0x2800  }
0x102: {  	[sflag:s16] =	ssyncset.done $0x0  }
0x103: {  	s29 =	rddreg [dreg:$0xd];
	[sflag:s16] =	ssyncadd.s32 $0xFFFFD800  }
0x104: {  	[spmem:s29] =	stream.linear.scatter [tilespmem:s12], [sflag:$0xB], $0x2800, $0x38;
	[tilespmem:$0x1E428] =	vst v63  }
0x105: {  	_ =	swait.ge [sflag:s25], $0x2800  }
0x106: {  	[sflag:s25] =	ssyncset.done $0x0  }
0x107: {  	s29 =	rddreg [dreg:$0xe];
	[sflag:s25] =	ssyncadd.s32 $0xFFFFD800  }
0x108: {  	[tilespmem:s12], [sflag:$0x5] =	stream.linear.gather [hbm4b:s29+s2], $0x2800, $0x38;
	[tilespmem:$0x1E428] =	vst v63  }
0x109: {  	_ =	swait.ge [sflag:s14], $0x2800  }
0x10a: {  	[sflag:s14] =	ssyncset.done $0x0  }
0x10b: {  	s29 =	rddreg [dreg:$0xf];
	[sflag:s14] =	ssyncadd.s32 $0xFFFFD800  }
0x10c: {  	[spmem:s29] =	stream.linear.scatter [tilespmem:s10], [sflag:$0xC], $0x2800, $0x38;
	[tilespmem:$0x1E428] =	vst v63  }
0x10d: {  	_ =	swait.ge [sflag:s24], $0x2800  }
0x10e: {  	[sflag:s24] =	ssyncset.done $0x0  }
0x10f: {  	s29 =	rddreg [dreg:$0x10];
	[sflag:s24] =	ssyncadd.s32 $0xFFFFD800  }
0x110: {  	[tilespmem:s10], [sflag:$0x6] =	stream.linear.gather [hbm4b:s29+s2], $0x2800, $0x38;
	[tilespmem:$0x1E428] =	vst v63  }
0x111: {  	_ =	swait.ge [sflag:s8], $0x2800  }
0x112: {  	[sflag:s8] =	ssyncset.done $0x0  }
0x113: {  	s29 =	rddreg [dreg:$0x11];
	[sflag:s8] =	ssyncadd.s32 $0xFFFFD800  }
0x114: {  	[spmem:s29] =	stream.linear.scatter [tilespmem:s7], [sflag:$0xA], $0x2800, $0x38;
	[tilespmem:$0x1E428] =	vst v63  }
0x115: {  	_ =	swait.ge [sflag:s16], $0x2800  }
0x116: {  	[sflag:s16] =	ssyncset.done $0x0  }
0x117: {  	s29 =	rddreg [dreg:$0x12];
	[sflag:s16] =	ssyncadd.s32 $0xFFFFD800  }
0x118: {  	[spmem:s29] =	stream.linear.scatter [tilespmem:s12], [sflag:$0xB], $0x2800, $0x38;
	[tilespmem:$0x1E428] =	vst v63  }
0x119: {  	_ =	swait.ge [sflag:s14], $0x2800  }
0x11a: {  	[sflag:s14] =	ssyncset.done $0x0  }
0x11b: {  	s29 =	rddreg [dreg:$0x13];
	[sflag:s14] =	ssyncadd.s32 $0xFFFFD800  }
0x11c: {  	[spmem:s29] =	stream.linear.scatter [tilespmem:s10], [sflag:$0xC], $0x2800, $0x38;
	[tilespmem:$0x1E428] =	vst v63  }
0x11d: {  	_ =	swait.ge [sflag:s26], $0x2800  }
0x11e: {  	[sflag:s26] =	ssyncset.done $0x0  }
0x11f: {  	[sflag:s26] =	ssyncadd.s32 $0xFFFFD800  }
0x120: {  	_ =	swait.ge [sflag:s25], $0x2800  }
0x121: {  	[sflag:s25] =	ssyncset.done $0x0  }
0x122: {  	[sflag:s25] =	ssyncadd.s32 $0xFFFFD800  }
0x123: {  	_ =	swait.ge [sflag:s24], $0x2800  }
0x124: {  	[sflag:s24] =	ssyncset.done $0x0  }
0x125: {  	s29 =	simm.s32 @!p0 $0x0;
	s0 =	rddreg [dreg:$0x14];
	[sflag:s24] =	ssyncadd.s32 $0xFFFFD800  }
0x126: {  	[tilespmem:s30], [sflag:$0x4] =	stream.linear.gather @!p0 [hbm4b:s0+s29], $0x848, $0x38;
	[tilespmem:$0x1E428] =	vst v63  }
0x127: {  	_ =	swait.ge @!p0 [sflag:s28], $0x848  }
0x128: {  	[sflag:s28] =	ssyncset.done @!p0 $0x0  }
0x129: {  	s0 =	rddreg [dreg:$0x15];
	[sflag:s28] =	ssyncadd.s32 @!p0 $0xFFFFF7B8  }
0x12a: {  	[spmem:s0] =	stream.linear.scatter @!p0 [tilespmem:s30], [sflag:$0xA], $0x848, $0x38;
	[tilespmem:$0x1E428] =	vst v63  }
0x12b: {  	_ =	swait.ge @!p0 [sflag:s31], $0x848  }
0x12c: {  	[sflag:s31] =	ssyncset.done @!p0 $0x0  }
0x12d: {  	[sflag:s31] =	ssyncadd.s32 @!p0 $0xFFFFF7B8  }
0x12e: {  	[bflag:$0x0] =	sbarrier.arrive $0xFFFF  }
0x12f: {  	_ =	swait.ge [sflag:s20], $0x2800  }
0x130: {  	[sflag:s20] =	ssyncset.done $0x0  }
0x131: {  	[sflag:s20] =	ssyncadd.s32 $0xFFFFD800  }
0x132: {  	[tilespmem:s7], [sflag:$0x4] =	stream.indirect.gather [spmem:s3], $0x1, s11, s18, $0xb8;
	[tilespmem:$0x1E428] =	vst v63  }
0x133: {  	_ =	swait.ge [sflag:s23], $0x2800  }
0x134: {  	[sflag:s23] =	ssyncset.done $0x0  }
0x135: {  	[sflag:s23] =	ssyncadd.s32 $0xFFFFD800  }
0x136: {  	[tilespmem:s12], [sflag:$0x5] =	stream.indirect.gather [spmem:s3], $0x1, s21, s18, $0xb8;
	[tilespmem:$0x1E428] =	vst v63  }
0x137: {  	_ =	swait.ge [sflag:s22], $0x2800  }
0x138: {  	[sflag:s22] =	ssyncset.done $0x0  }
0x139: {  	[sflag:s22] =	ssyncadd.s32 $0xFFFFD800  }
0x13a: {  	[tilespmem:s10], [sflag:$0x6] =	stream.indirect.gather [spmem:s3], $0x1, s19, s18, $0xb8;
	[tilespmem:$0x1E428] =	vst v63  }
0x13b: {  	_ =	swait.ge [sflag:s8], $0x2800  }
0x13c: {  	[sflag:s8] =	ssyncset.done $0x0  }
0x13d: {  	s0 =	rddreg [dreg:$0x16];
	[sflag:s8] =	ssyncadd.s32 $0xFFFFD800  }
0x13e: {  	[hbm4b:s0+s2] =	stream.linear.scatter [tilespmem:s7], [sflag:$0x7], $0x2800, $0x38;
	[tilespmem:$0x1E428] =	vst v63  }
0x13f: {  	s29 =	rddreg [dreg:$0x17]  }
0x140: {  	[tilespmem:s11], [sflag:$0x1] =	stream.linear.gather [hbm4b:s29+s2], $0x2800, $0x38;
	[tilespmem:$0x1E428] =	vst v63  }
0x141: {  	_ =	swait.ge [sflag:s20], $0x2800  }
0x142: {  	[sflag:s20] =	ssyncset.done $0x0  }
0x143: {  	[sflag:s20] =	ssyncadd.s32 $0xFFFFD800  }
0x144: {  	_ =	swait.ge [sflag:s9], $0x2800  }
0x145: {  	[sflag:s9] =	ssyncset.done $0x0  }
0x146: {  	[sflag:s9] =	ssyncadd.s32 $0xFFFFD800  }
0x147: {  	[tilespmem:s7], [sflag:$0x4] =	stream.indirect.gather [spmem:s3], $0x1, s11, s18, $0xb8;
	[tilespmem:$0x1E428] =	vst v63  }
0x148: {  	_ =	swait.ge [sflag:s16], $0x2800  }
0x149: {  	[sflag:s16] =	ssyncset.done $0x0  }
0x14a: {  	s0 =	rddreg [dreg:$0x18];
	[sflag:s16] =	ssyncadd.s32 $0xFFFFD800  }
0x14b: {  	[hbm4b:s0+s2] =	stream.linear.scatter [tilespmem:s12], [sflag:$0x8], $0x2800, $0x38;
	[tilespmem:$0x1E428] =	vst v63  }
0x14c: {  	s29 =	rddreg [dreg:$0x19]  }
0x14d: {  	[tilespmem:s21], [sflag:$0x2] =	stream.linear.gather [hbm4b:s29+s2], $0x2800, $0x38;
	[tilespmem:$0x1E428] =	vst v63  }
0x14e: {  	_ =	swait.ge [sflag:s23], $0x2800  }
0x14f: {  	[sflag:s23] =	ssyncset.done $0x0  }
0x150: {  	[sflag:s23] =	ssyncadd.s32 $0xFFFFD800  }
0x151: {  	_ =	swait.ge [sflag:s17], $0x2800  }
0x152: {  	[sflag:s17] =	ssyncset.done $0x0  }
0x153: {  	[sflag:s17] =	ssyncadd.s32 $0xFFFFD800  }
0x154: {  	[tilespmem:s12], [sflag:$0x5] =	stream.indirect.gather [spmem:s3], $0x1, s21, s18, $0xb8;
	[tilespmem:$0x1E428] =	vst v63  }
0x155: {  	_ =	swait.ge [sflag:s14], $0x2800  }
0x156: {  	[sflag:s14] =	ssyncset.done $0x0  }
0x157: {  	s0 =	rddreg [dreg:$0x1a];
	[sflag:s14] =	ssyncadd.s32 $0xFFFFD800  }
0x158: {  	[hbm4b:s0+s2] =	stream.linear.scatter [tilespmem:s10], [sflag:$0x9], $0x2800, $0x38;
	[tilespmem:$0x1E428] =	vst v63  }
0x159: {  	s29 =	rddreg [dreg:$0x1b]  }
0x15a: {  	[tilespmem:s19], [sflag:$0x3] =	stream.linear.gather [hbm4b:s29+s2], $0x2800, $0x38;
	[tilespmem:$0x1E428] =	vst v63  }
0x15b: {  	_ =	swait.ge [sflag:s22], $0x2800  }
0x15c: {  	[sflag:s22] =	ssyncset.done $0x0  }
0x15d: {  	[sflag:s22] =	ssyncadd.s32 $0xFFFFD800  }
0x15e: {  	_ =	swait.ge [sflag:s15], $0x2800  }
0x15f: {  	[sflag:s15] =	ssyncset.done $0x0  }
0x160: {  	[sflag:s15] =	ssyncadd.s32 $0xFFFFD800  }
0x161: {  	[tilespmem:s10], [sflag:$0x6] =	stream.indirect.gather [spmem:s3], $0x1, s19, s18, $0xb8;
	[tilespmem:$0x1E428] =	vst v63  }
0x162: {  	_ =	swait.ge [sflag:s8], $0x2800  }
0x163: {  	[sflag:s8] =	ssyncset.done $0x0  }
0x164: {  	s0 =	rddreg [dreg:$0x1c];
	[sflag:s8] =	ssyncadd.s32 $0xFFFFD800  }
0x165: {  	[hbm4b:s0+s2] =	stream.linear.scatter [tilespmem:s7], [sflag:$0x7], $0x2800, $0x38;
	[tilespmem:$0x1E428] =	vst v63  }
0x166: {  	s29 =	rddreg [dreg:$0x1d]  }
0x167: {  	[tilespmem:s11], [sflag:$0x1] =	stream.linear.gather [hbm4b:s29+s2], $0x2800, $0x38;
	[tilespmem:$0x1E428] =	vst v63  }
0x168: {  	_ =	swait.ge [sflag:s20], $0x2800  }
0x169: {  	[sflag:s20] =	ssyncset.done $0x0  }
0x16a: {  	[sflag:s20] =	ssyncadd.s32 $0xFFFFD800  }
0x16b: {  	_ =	swait.ge [sflag:s9], $0x2800  }
0x16c: {  	[sflag:s9] =	ssyncset.done $0x0  }
0x16d: {  	[sflag:s9] =	ssyncadd.s32 $0xFFFFD800  }
0x16e: {  	[tilespmem:s7], [sflag:$0x4] =	stream.indirect.gather [spmem:s3], $0x1, s11, s18, $0xb8;
	[tilespmem:$0x1E428] =	vst v63  }
0x16f: {  	_ =	swait.ge [sflag:s16], $0x2800  }
0x170: {  	[sflag:s16] =	ssyncset.done $0x0  }
0x171: {  	s0 =	rddreg [dreg:$0x1e];
	[sflag:s16] =	ssyncadd.s32 $0xFFFFD800  }
0x172: {  	[hbm4b:s0+s2] =	stream.linear.scatter [tilespmem:s12], [sflag:$0x8], $0x2800, $0x38;
	[tilespmem:$0x1E428] =	vst v63  }
0x173: {  	s29 =	rddreg [dreg:$0x1f]  }
0x174: {  	[tilespmem:s21], [sflag:$0x2] =	stream.linear.gather [hbm4b:s29+s2], $0x2800, $0x38;
	[tilespmem:$0x1E428] =	vst v63  }
0x175: {  	_ =	swait.ge [sflag:s23], $0x2800  }
0x176: {  	[sflag:s23] =	ssyncset.done $0x0  }
0x177: {  	[sflag:s23] =	ssyncadd.s32 $0xFFFFD800  }
0x178: {  	_ =	swait.ge [sflag:s17], $0x2800  }
0x179: {  	[sflag:s17] =	ssyncset.done $0x0  }
0x17a: {  	[sflag:s17] =	ssyncadd.s32 $0xFFFFD800  }
0x17b: {  	[tilespmem:s12], [sflag:$0x5] =	stream.indirect.gather [spmem:s3], $0x1, s21, s18, $0xb8;
	[tilespmem:$0x1E428] =	vst v63  }
0x17c: {  	_ =	swait.ge [sflag:s14], $0x2800  }
0x17d: {  	s0 =	sld [smem:$0x7FB]  }
0x17e: {  	[sflag:s14] =	ssyncset.done $0x0  }
0x17f: {  	s29 =	sld [smem:$0x7FC];
	[sflag:s14] =	ssyncadd.s32 $0xFFFFD800  }
0x180: {  	[hbm4b:s0+s2] =	stream.linear.scatter [tilespmem:s10], [sflag:$0x9], $0x2800, $0x38;
	[tilespmem:$0x1E428] =	vst v63  }
0x181: {  	_ = 	snop  }
0x182: {  	[tilespmem:s19], [sflag:$0x3] =	stream.linear.gather [hbm4b:s29+s2], $0x2800, $0x38;
	[tilespmem:$0x1E428] =	vst v63  }
0x183: {  	_ =	swait.ge [sflag:s22], $0x2800  }
0x184: {  	[sflag:s22] =	ssyncset.done $0x0  }
0x185: {  	[sflag:s22] =	ssyncadd.s32 $0xFFFFD800  }
0x186: {  	_ =	swait.ge [sflag:s15], $0x2800  }
0x187: {  	[sflag:s15] =	ssyncset.done $0x0  }
0x188: {  	[sflag:s15] =	ssyncadd.s32 $0xFFFFD800  }
0x189: {  	[tilespmem:s10], [sflag:$0x6] =	stream.indirect.gather [spmem:s3], $0x1, s19, s18, $0xb8;
	[tilespmem:$0x1E428] =	vst v63  }
0x18a: {  	_ =	swait.ge [sflag:s8], $0x2800  }
0x18b: {  	s29 =	sld [smem:$0x7FD]  }
0x18c: {  	[sflag:s8] =	ssyncset.done $0x0  }
0x18d: {  	[sflag:s8] =	ssyncadd.s32 $0xFFFFD800  }
0x18e: {  	[hbm4b:s29+s2] =	stream.linear.scatter [tilespmem:s7], [sflag:$0x7], $0x2800, $0x38;
	[tilespmem:$0x1E428] =	vst v63  }
0x18f: {  	_ = 	snop  }
0x190: {  	[tilespmem:s11], [sflag:$0x1] =	stream.linear.gather [hbm4b:s13+s2], $0x2800, $0x38;
	[tilespmem:$0x1E428] =	vst v63  }
0x191: {  	_ =	swait.ge [sflag:s20], $0x2800  }
0x192: {  	[sflag:s20] =	ssyncset.done $0x0  }
0x193: {  	[sflag:s20] =	ssyncadd.s32 $0xFFFFD800  }
0x194: {  	_ =	swait.ge [sflag:s9], $0x2800  }
0x195: {  	[sflag:s9] =	ssyncset.done $0x0  }
0x196: {  	[sflag:s9] =	ssyncadd.s32 $0xFFFFD800  }
0x197: {  	[tilespmem:s7], [sflag:$0x4] =	stream.indirect.gather [spmem:s3], $0x1, s11, s18, $0xb8;
	[tilespmem:$0x1E428] =	vst v63  }
0x198: {  	_ =	swait.ge [sflag:s16], $0x2800  }
0x199: {  	[sflag:s16] =	ssyncset.done $0x0  }
0x19a: {  	[sflag:s16] =	ssyncadd.s32 $0xFFFFD800  }
0x19b: {  	[hbm4b:s6+s2] =	stream.linear.scatter [tilespmem:s12], [sflag:$0x8], $0x2800, $0x38;
	[tilespmem:$0x1E428] =	vst v63  }
0x19c: {  	_ =	swait.ge [sflag:s14], $0x2800  }
0x19d: {  	[sflag:s14] =	ssyncset.done $0x0  }
0x19e: {  	[sflag:s14] =	ssyncadd.s32 $0xFFFFD800  }
0x19f: {  	[hbm4b:s5+s2] =	stream.linear.scatter [tilespmem:s10], [sflag:$0x9], $0x2800, $0x38;
	[tilespmem:$0x1E428] =	vst v63  }
0x1a0: {  	_ =	swait.ge [sflag:s8], $0x2800  }
0x1a1: {  	[sflag:s8] =	ssyncset.done $0x0  }
0x1a2: {  	[sflag:s8] =	ssyncadd.s32 $0xFFFFD800  }
0x1a3: {  	[hbm4b:s4+s2] =	stream.linear.scatter [tilespmem:s7], [sflag:$0x7], $0x2800, $0x38;
	[tilespmem:$0x1E428] =	vst v63  }
0x1a4: {  	_ =	swait.ge [sflag:s17], $0x2800  }
0x1a5: {  	s1 =	sadd.s32 $0xFFFFFFFF, s1;
	[sflag:s17] =	ssyncset.done $0x0  }
0x1a6: {  	p2 =	sne.s32 s1, $0x0;
	[sflag:s17] =	ssyncadd.s32 $0xFFFFD800  }
.Ltmp2:
0x1a7: {  	_ =	swait.ge [sflag:s15], $0x2800;
	(pc) =	sbr.rel @p2 .LBB2_3-.Ltmp2, $4  }
0x1a8: {  	[sflag:s15] =	ssyncset.done $0x0  }
0x1a9: {  	[sflag:s15] =	ssyncadd.s32 $0xFFFFD800  }
0x1aa: {  	_ =	swait.ge [sflag:s9], $0x2800  }
0x1ab: {  	s0 =	rddreg [dreg:$0x5];
	[sflag:s9] =	ssyncset.done $0x0  }
0x1ac: {  	s28 =	stileid.u32;
	s29 =	rddreg [dreg:$0x4]  }
.LBB2_5:
0x1ad: {  	[sflag:s9] =	ssyncadd.s32 @p1 $0xFFFFD800  }
0x1ae: {  	[tilespmem:s11], [sflag:$0x1] =	stream.linear.gather [hbm4b:s0+s2], $0x2800, $0x38;
	[tilespmem:$0x1E428] =	vst v63  }
0x1af: {  	s1 =	rddreg [dreg:$0x6]  }
0x1b0: {  	[tilespmem:s21], [sflag:$0x2] =	stream.linear.gather [hbm4b:s1+s2], $0x2800, $0x38;
	[tilespmem:$0x1E428] =	vst v63  }
0x1b1: {  	s30 =	rddreg [dreg:$0x7]  }
0x1b2: {  	[tilespmem:s19], [sflag:$0x3] =	stream.linear.gather [hbm4b:s30+s2], $0x2800, $0x38;
	[tilespmem:$0x1E428] =	vst v63  }
0x1b3: {  	s31 =	rddreg [dreg:$0x8]  }
0x1b4: {  	[tilespmem:s7], [sflag:$0x4] =	stream.linear.gather [hbm4b:s31+s2], $0x2800, $0x38;
	[tilespmem:$0x1E428] =	vst v63  }
0x1b5: {  	s30 =	rddreg [dreg:$0x9]  }
0x1b6: {  	[tilespmem:s12], [sflag:$0x5] =	stream.linear.gather [hbm4b:s30+s2], $0x2800, $0x38;
	[tilespmem:$0x1E428] =	vst v63  }
0x1b7: {  	s31 =	rddreg [dreg:$0xa]  }
0x1b8: {  	[tilespmem:s10], [sflag:$0x6] =	stream.linear.gather [hbm4b:s31+s2], $0x2800, $0x38;
	[tilespmem:$0x1E428] =	vst v63  }
0x1b9: {  	_ =	swait.ge [sflag:s8], $0x2800  }
0x1ba: {  	[sflag:s8] =	ssyncset.done $0x0  }
0x1bb: {  	s30 =	rddreg [dreg:$0xb];
	[sflag:s8] =	ssyncadd.s32 $0xFFFFD800  }
0x1bc: {  	[spmem:s30] =	stream.linear.scatter [tilespmem:s7], [sflag:$0xA], $0x2800, $0x38;
	[tilespmem:$0x1E428] =	vst v63  }
0x1bd: {  	_ =	swait.ge [sflag:s26], $0x2800  }
0x1be: {  	[sflag:s26] =	ssyncset.done $0x0  }
0x1bf: {  	s31 =	rddreg [dreg:$0xc];
	[sflag:s26] =	ssyncadd.s32 $0xFFFFD800  }
0x1c0: {  	[tilespmem:s7], [sflag:$0x4] =	stream.linear.gather [hbm4b:s31+s2], $0x2800, $0x38;
	[tilespmem:$0x1E428] =	vst v63  }
0x1c1: {  	_ =	swait.ge [sflag:s16], $0x2800  }
0x1c2: {  	[sflag:s16] =	ssyncset.done $0x0  }
0x1c3: {  	s1 =	rddreg [dreg:$0xd];
	[sflag:s16] =	ssyncadd.s32 $0xFFFFD800  }
0x1c4: {  	[spmem:s1] =	stream.linear.scatter [tilespmem:s12], [sflag:$0xB], $0x2800, $0x38;
	[tilespmem:$0x1E428] =	vst v63  }
0x1c5: {  	_ =	swait.ge [sflag:s25], $0x2800  }
0x1c6: {  	[sflag:s25] =	ssyncset.done $0x0  }
0x1c7: {  	s30 =	rddreg [dreg:$0xe];
	[sflag:s25] =	ssyncadd.s32 $0xFFFFD800  }
0x1c8: {  	[tilespmem:s12], [sflag:$0x5] =	stream.linear.gather [hbm4b:s30+s2], $0x2800, $0x38;
	[tilespmem:$0x1E428] =	vst v63  }
0x1c9: {  	_ =	swait.ge [sflag:s14], $0x2800  }
0x1ca: {  	[sflag:s14] =	ssyncset.done $0x0  }
0x1cb: {  	s31 =	rddreg [dreg:$0xf];
	[sflag:s14] =	ssyncadd.s32 $0xFFFFD800  }
0x1cc: {  	[spmem:s31] =	stream.linear.scatter [tilespmem:s10], [sflag:$0xC], $0x2800, $0x38;
	[tilespmem:$0x1E428] =	vst v63  }
0x1cd: {  	_ =	swait.ge [sflag:s24], $0x2800  }
0x1ce: {  	[sflag:s24] =	ssyncset.done $0x0  }
0x1cf: {  	s1 =	rddreg [dreg:$0x10];
	[sflag:s24] =	ssyncadd.s32 $0xFFFFD800  }
0x1d0: {  	[tilespmem:s10], [sflag:$0x6] =	stream.linear.gather [hbm4b:s1+s2], $0x2800, $0x38;
	[tilespmem:$0x1E428] =	vst v63  }
0x1d1: {  	_ =	swait.ge [sflag:s8], $0x2800  }
0x1d2: {  	[sflag:s8] =	ssyncset.done $0x0  }
0x1d3: {  	s30 =	rddreg [dreg:$0x11];
	[sflag:s8] =	ssyncadd.s32 $0xFFFFD800  }
0x1d4: {  	[spmem:s30] =	stream.linear.scatter [tilespmem:s7], [sflag:$0xA], $0x2800, $0x38;
	[tilespmem:$0x1E428] =	vst v63  }
0x1d5: {  	_ =	swait.ge [sflag:s16], $0x2800  }
0x1d6: {  	[sflag:s16] =	ssyncset.done $0x0  }
0x1d7: {  	s31 =	rddreg [dreg:$0x12];
	[sflag:s16] =	ssyncadd.s32 $0xFFFFD800  }
0x1d8: {  	[spmem:s31] =	stream.linear.scatter [tilespmem:s12], [sflag:$0xB], $0x2800, $0x38;
	[tilespmem:$0x1E428] =	vst v63  }
0x1d9: {  	_ =	swait.ge [sflag:s14], $0x2800  }
0x1da: {  	[sflag:s14] =	ssyncset.done $0x0  }
0x1db: {  	s1 =	rddreg [dreg:$0x13];
	[sflag:s14] =	ssyncadd.s32 $0xFFFFD800  }
0x1dc: {  	[spmem:s1] =	stream.linear.scatter [tilespmem:s10], [sflag:$0xC], $0x2800, $0x38;
	[tilespmem:$0x1E428] =	vst v63  }
0x1dd: {  	_ =	swait.ge [sflag:s26], $0x2800  }
0x1de: {  	[sflag:s26] =	ssyncset.done $0x0  }
0x1df: {  	[sflag:s26] =	ssyncadd.s32 $0xFFFFD800  }
0x1e0: {  	_ =	swait.ge [sflag:s25], $0x2800  }
0x1e1: {  	[sflag:s25] =	ssyncset.done $0x0  }
0x1e2: {  	[sflag:s25] =	ssyncadd.s32 $0xFFFFD800  }
0x1e3: {  	_ =	swait.ge [sflag:s24], $0x2800  }
0x1e4: {  	s1 =	simm.s32 @!p0 $0x0;
	[sflag:s24] =	ssyncset.done $0x0  }
0x1e5: {  	s0 =	rddreg [dreg:$0x14];
	[sflag:s24] =	ssyncadd.s32 $0xFFFFD800;
	s24 =	simm.s32 @!p0 $0x16C28  }
0x1e6: {  	[tilespmem:s24], [sflag:$0x4] =	stream.linear.gather @!p0 [hbm4b:s0+s1], $0x848, $0x38;
	[tilespmem:$0x1E428] =	vst v63  }
0x1e7: {  	s0 =	simm.s32 @!p0 $0x4  }
0x1e8: {  	_ =	swait.ge @!p0 [sflag:s0], $0x848  }
0x1e9: {  	[sflag:s0] =	ssyncset.done @!p0 $0x0  }
0x1ea: {  	s1 =	rddreg [dreg:$0x15];
	[sflag:s0] =	ssyncadd.s32 @!p0 $0xFFFFF7B8;
	s0 =	simm.s32 @!p0 $0xA  }
0x1eb: {  	[spmem:s1] =	stream.linear.scatter @!p0 [tilespmem:s24], [sflag:$0xA], $0x848, $0x38;
	[tilespmem:$0x1E428] =	vst v63  }
0x1ec: {  	_ =	swait.ge @!p0 [sflag:s0], $0x848  }
0x1ed: {  	[sflag:s0] =	ssyncset.done @!p0 $0x0  }
0x1ee: {  	[sflag:s0] =	ssyncadd.s32 @!p0 $0xFFFFF7B8  }
0x1ef: {  	[bflag:$0x0] =	sbarrier.arrive $0xFFFF  }
0x1f0: {  	_ =	swait.ge [sflag:s20], $0x2800  }
0x1f1: {  	[sflag:s20] =	ssyncset.done $0x0  }
0x1f2: {  	[sflag:s20] =	ssyncadd.s32 $0xFFFFD800  }
0x1f3: {  	[tilespmem:s7], [sflag:$0x4] =	stream.indirect.gather [spmem:s3], $0x1, s11, s18, $0xb8;
	[tilespmem:$0x1E428] =	vst v63  }
0x1f4: {  	_ =	swait.ge [sflag:s23], $0x2800  }
0x1f5: {  	[sflag:s23] =	ssyncset.done $0x0  }
0x1f6: {  	[sflag:s23] =	ssyncadd.s32 $0xFFFFD800  }
0x1f7: {  	[tilespmem:s12], [sflag:$0x5] =	stream.indirect.gather [spmem:s3], $0x1, s21, s18, $0xb8;
	[tilespmem:$0x1E428] =	vst v63  }
0x1f8: {  	_ =	swait.ge [sflag:s22], $0x2800  }
0x1f9: {  	[sflag:s22] =	ssyncset.done $0x0  }
0x1fa: {  	[sflag:s22] =	ssyncadd.s32 $0xFFFFD800  }
0x1fb: {  	[tilespmem:s10], [sflag:$0x6] =	stream.indirect.gather [spmem:s3], $0x1, s19, s18, $0xb8;
	[tilespmem:$0x1E428] =	vst v63  }
0x1fc: {  	_ =	swait.ge [sflag:s8], $0x2800  }
0x1fd: {  	[sflag:s8] =	ssyncset.done $0x0  }
0x1fe: {  	s30 =	rddreg [dreg:$0x16];
	[sflag:s8] =	ssyncadd.s32 $0xFFFFD800  }
0x1ff: {  	[hbm4b:s30+s2] =	stream.linear.scatter [tilespmem:s7], [sflag:$0x7], $0x2800, $0x38;
	[tilespmem:$0x1E428] =	vst v63  }
0x200: {  	s31 =	rddreg [dreg:$0x17]  }
0x201: {  	[tilespmem:s11], [sflag:$0x1] =	stream.linear.gather [hbm4b:s31+s2], $0x2800, $0x38;
	[tilespmem:$0x1E428] =	vst v63  }
0x202: {  	_ =	swait.ge [sflag:s20], $0x2800  }
0x203: {  	[sflag:s20] =	ssyncset.done $0x0  }
0x204: {  	[sflag:s20] =	ssyncadd.s32 $0xFFFFD800  }
0x205: {  	_ =	swait.ge [sflag:s9], $0x2800  }
0x206: {  	[sflag:s9] =	ssyncset.done $0x0  }
0x207: {  	[sflag:s9] =	ssyncadd.s32 $0xFFFFD800  }
0x208: {  	[tilespmem:s7], [sflag:$0x4] =	stream.indirect.gather [spmem:s3], $0x1, s11, s18, $0xb8;
	[tilespmem:$0x1E428] =	vst v63  }
0x209: {  	_ =	swait.ge [sflag:s16], $0x2800  }
0x20a: {  	[sflag:s16] =	ssyncset.done $0x0  }
0x20b: {  	s1 =	rddreg [dreg:$0x18];
	[sflag:s16] =	ssyncadd.s32 $0xFFFFD800  }
0x20c: {  	[hbm4b:s1+s2] =	stream.linear.scatter [tilespmem:s12], [sflag:$0x8], $0x2800, $0x38;
	[tilespmem:$0x1E428] =	vst v63  }
0x20d: {  	s24 =	rddreg [dreg:$0x19]  }
0x20e: {  	[tilespmem:s21], [sflag:$0x2] =	stream.linear.gather [hbm4b:s24+s2], $0x2800, $0x38;
	[tilespmem:$0x1E428] =	vst v63  }
0x20f: {  	_ =	swait.ge [sflag:s23], $0x2800  }
0x210: {  	[sflag:s23] =	ssyncset.done $0x0  }
0x211: {  	[sflag:s23] =	ssyncadd.s32 $0xFFFFD800  }
0x212: {  	_ =	swait.ge [sflag:s17], $0x2800  }
0x213: {  	[sflag:s17] =	ssyncset.done $0x0  }
0x214: {  	[sflag:s17] =	ssyncadd.s32 $0xFFFFD800  }
0x215: {  	[tilespmem:s12], [sflag:$0x5] =	stream.indirect.gather [spmem:s3], $0x1, s21, s18, $0xb8;
	[tilespmem:$0x1E428] =	vst v63  }
0x216: {  	_ =	swait.ge [sflag:s14], $0x2800  }
0x217: {  	[sflag:s14] =	ssyncset.done $0x0  }
0x218: {  	s25 =	rddreg [dreg:$0x1a];
	[sflag:s14] =	ssyncadd.s32 $0xFFFFD800  }
0x219: {  	[hbm4b:s25+s2] =	stream.linear.scatter [tilespmem:s10], [sflag:$0x9], $0x2800, $0x38;
	[tilespmem:$0x1E428] =	vst v63  }
0x21a: {  	s26 =	rddreg [dreg:$0x1b]  }
0x21b: {  	[tilespmem:s19], [sflag:$0x3] =	stream.linear.gather [hbm4b:s26+s2], $0x2800, $0x38;
	[tilespmem:$0x1E428] =	vst v63  }
0x21c: {  	_ =	swait.ge [sflag:s22], $0x2800  }
0x21d: {  	[sflag:s22] =	ssyncset.done $0x0  }
0x21e: {  	[sflag:s22] =	ssyncadd.s32 $0xFFFFD800  }
0x21f: {  	_ =	swait.ge [sflag:s15], $0x2800  }
0x220: {  	[sflag:s15] =	ssyncset.done $0x0  }
0x221: {  	[sflag:s15] =	ssyncadd.s32 $0xFFFFD800  }
0x222: {  	[tilespmem:s10], [sflag:$0x6] =	stream.indirect.gather [spmem:s3], $0x1, s19, s18, $0xb8;
	[tilespmem:$0x1E428] =	vst v63  }
0x223: {  	_ =	swait.ge [sflag:s8], $0x2800  }
0x224: {  	[sflag:s8] =	ssyncset.done $0x0  }
0x225: {  	s30 =	rddreg [dreg:$0x1c];
	[sflag:s8] =	ssyncadd.s32 $0xFFFFD800  }
0x226: {  	[hbm4b:s30+s2] =	stream.linear.scatter [tilespmem:s7], [sflag:$0x7], $0x2800, $0x38;
	[tilespmem:$0x1E428] =	vst v63  }
0x227: {  	s31 =	rddreg [dreg:$0x1d]  }
0x228: {  	[tilespmem:s11], [sflag:$0x1] =	stream.linear.gather [hbm4b:s31+s2], $0x2800, $0x38;
	[tilespmem:$0x1E428] =	vst v63  }
0x229: {  	_ =	swait.ge [sflag:s20], $0x2800  }
0x22a: {  	[sflag:s20] =	ssyncset.done $0x0  }
0x22b: {  	[sflag:s20] =	ssyncadd.s32 $0xFFFFD800  }
0x22c: {  	_ =	swait.ge [sflag:s9], $0x2800  }
0x22d: {  	[sflag:s9] =	ssyncset.done $0x0  }
0x22e: {  	[sflag:s9] =	ssyncadd.s32 $0xFFFFD800  }
0x22f: {  	[tilespmem:s7], [sflag:$0x4] =	stream.indirect.gather [spmem:s3], $0x1, s11, s18, $0xb8;
	[tilespmem:$0x1E428] =	vst v63  }
0x230: {  	_ =	swait.ge [sflag:s16], $0x2800  }
0x231: {  	[sflag:s16] =	ssyncset.done $0x0  }
0x232: {  	s24 =	rddreg [dreg:$0x1e];
	[sflag:s16] =	ssyncadd.s32 $0xFFFFD800  }
0x233: {  	[hbm4b:s24+s2] =	stream.linear.scatter [tilespmem:s12], [sflag:$0x8], $0x2800, $0x38;
	[tilespmem:$0x1E428] =	vst v63  }
0x234: {  	s25 =	rddreg [dreg:$0x1f]  }
0x235: {  	[tilespmem:s21], [sflag:$0x2] =	stream.linear.gather [hbm4b:s25+s2], $0x2800, $0x38;
	[tilespmem:$0x1E428] =	vst v63  }
0x236: {  	_ =	swait.ge [sflag:s23], $0x2800  }
0x237: {  	[sflag:s23] =	ssyncset.done $0x0  }
0x238: {  	[sflag:s23] =	ssyncadd.s32 $0xFFFFD800  }
0x239: {  	_ =	swait.ge [sflag:s17], $0x2800  }
0x23a: {  	[sflag:s17] =	ssyncset.done $0x0  }
0x23b: {  	[sflag:s17] =	ssyncadd.s32 $0xFFFFD800  }
0x23c: {  	[tilespmem:s12], [sflag:$0x5] =	stream.indirect.gather [spmem:s3], $0x1, s21, s18, $0xb8;
	[tilespmem:$0x1E428] =	vst v63  }
0x23d: {  	_ =	swait.ge [sflag:s14], $0x2800  }
0x23e: {  	s26 =	sld [smem:$0x7FB]  }
0x23f: {  	[sflag:s14] =	ssyncset.done $0x0  }
0x240: {  	s30 =	sld [smem:$0x7FC];
	[sflag:s14] =	ssyncadd.s32 $0xFFFFD800  }
0x241: {  	[hbm4b:s26+s2] =	stream.linear.scatter [tilespmem:s10], [sflag:$0x9], $0x2800, $0x38;
	[tilespmem:$0x1E428] =	vst v63  }
0x242: {  	_ = 	snop  }
0x243: {  	[tilespmem:s19], [sflag:$0x3] =	stream.linear.gather [hbm4b:s30+s2], $0x2800, $0x38;
	[tilespmem:$0x1E428] =	vst v63  }
0x244: {  	_ =	swait.ge [sflag:s22], $0x2800  }
0x245: {  	[sflag:s22] =	ssyncset.done $0x0  }
0x246: {  	[sflag:s22] =	ssyncadd.s32 $0xFFFFD800  }
0x247: {  	_ =	swait.ge [sflag:s15], $0x2800  }
0x248: {  	[sflag:s15] =	ssyncset.done $0x0  }
0x249: {  	[sflag:s15] =	ssyncadd.s32 $0xFFFFD800  }
0x24a: {  	[tilespmem:s10], [sflag:$0x6] =	stream.indirect.gather [spmem:s3], $0x1, s19, s18, $0xb8;
	[tilespmem:$0x1E428] =	vst v63  }
0x24b: {  	_ =	swait.ge [sflag:s8], $0x2800  }
0x24c: {  	s31 =	sld [smem:$0x7FD]  }
0x24d: {  	[sflag:s8] =	ssyncset.done $0x0  }
0x24e: {  	[sflag:s8] =	ssyncadd.s32 $0xFFFFD800  }
0x24f: {  	[hbm4b:s31+s2] =	stream.linear.scatter [tilespmem:s7], [sflag:$0x7], $0x2800, $0x38;
	[tilespmem:$0x1E428] =	vst v63  }
0x250: {  	_ = 	snop  }
0x251: {  	[tilespmem:s11], [sflag:$0x1] =	stream.linear.gather [hbm4b:s13+s2], $0x2800, $0x38;
	[tilespmem:$0x1E428] =	vst v63  }
0x252: {  	_ =	swait.ge [sflag:s20], $0x2800  }
0x253: {  	[sflag:s20] =	ssyncset.done $0x0  }
0x254: {  	[sflag:s20] =	ssyncadd.s32 $0xFFFFD800  }
0x255: {  	_ =	swait.ge [sflag:s9], $0x2800  }
0x256: {  	[sflag:s9] =	ssyncset.done $0x0  }
0x257: {  	[sflag:s9] =	ssyncadd.s32 $0xFFFFD800  }
0x258: {  	[tilespmem:s7], [sflag:$0x4] =	stream.indirect.gather [spmem:s3], $0x1, s11, s18, $0xb8;
	[tilespmem:$0x1E428] =	vst v63  }
0x259: {  	_ =	swait.ge [sflag:s16], $0x2800  }
0x25a: {  	[sflag:s16] =	ssyncset.done $0x0  }
0x25b: {  	[sflag:s16] =	ssyncadd.s32 $0xFFFFD800  }
0x25c: {  	[hbm4b:s6+s2] =	stream.linear.scatter [tilespmem:s12], [sflag:$0x8], $0x2800, $0x38;
	[tilespmem:$0x1E428] =	vst v63  }
0x25d: {  	_ =	swait.ge [sflag:s14], $0x2800  }
0x25e: {  	[sflag:s14] =	ssyncset.done $0x0  }
0x25f: {  	[sflag:s14] =	ssyncadd.s32 $0xFFFFD800  }
0x260: {  	[hbm4b:s5+s2] =	stream.linear.scatter [tilespmem:s10], [sflag:$0x9], $0x2800, $0x38;
	[tilespmem:$0x1E428] =	vst v63  }
0x261: {  	_ =	swait.ge [sflag:s8], $0x2800  }
0x262: {  	[sflag:s8] =	ssyncset.done $0x0  }
0x263: {  	[sflag:s8] =	ssyncadd.s32 $0xFFFFD800  }
0x264: {  	[hbm4b:s4+s2] =	stream.linear.scatter [tilespmem:s7], [sflag:$0x7], $0x2800, $0x38;
	[tilespmem:$0x1E428] =	vst v63  }
0x265: {  	_ =	swait.ge [sflag:s17], $0x2800  }
0x266: {  	[sflag:s17] =	ssyncset.done $0x0  }
0x267: {  	[sflag:s17] =	ssyncadd.s32 $0xFFFFD800  }
0x268: {  	_ =	swait.ge [sflag:s15], $0x2800  }
0x269: {  	[sflag:s15] =	ssyncset.done $0x0  }
0x26a: {  	[sflag:s15] =	ssyncadd.s32 $0xFFFFD800  }
0x26b: {  	_ =	swait.ge [sflag:s9], $0x2800  }
0x26c: {  	[sflag:s9] =	ssyncset.done $0x0  }
0x26d: {  	[sflag:s9] =	ssyncadd.s32 $0xFFFFD800  }
0x26e: {  	_ =	sfence.sel $0x180000  }
0x26f: {  	[bflag:$0x0] =	sbarrier.arrive $0xFFFF  }
0x270: {  	p0 =	sne.s32 s28, $0x0;
	_ =	strace $0x90000047  }
0x271: {  	s0 =	sadd.s32 @!p0 $0x100000, s29;
	[bflag:$0x2] =	sbarrier.arrive $0xFFFF  }
0x272: {  	[sflag:s0] =	ssyncadd.tile.s32 @!p0 $0x1;
	_ =	shalt  }
.LBB2_2:
.Ltmp3:
0x273: {  	(pc) =	sbr.rel .LBB2_5-.Ltmp3, $2  }
0x274: {  	_ =	sdelay $0x2  }
0x275: {  	s28 =	stileid.u32;
	s29 =	rddreg [dreg:$0x4]  }
.Lfunc_end2:
_tile_overlayer_lowered:
.L_overlay_start_2:
0x276: {  	(tag) =	ssettag $0x2  }
0x277: {  	s0 =	rddreg [dreg:$0x0];
	s2 =	stileid.u32  }
0x278: {  	s1 =	rddreg [dreg:$0x1];
	p0 =	sne.s32 s2, $0x0  }
0x279: {  	s3 =	rddreg [dreg:$0x2];
	[bflag:$0x3] =	sbarrier.arrive $0xFFFF;
	s2 =	simm.s32 @!p0 $0x1C0D  }
0x27a: {  	[timem:s3], [sflag:s2] =	dma.local @!p0 [hbm:s0], s1  }
0x27b: {  	s0 =	simm.s32 @!p0 $0xD  }
0x27c: {  	_ =	swait.ge @!p0 [sflag:s0], s1  }
0x27d: {  	s1 =	ssub.s32 @!p0 $0x0, s1;
	[sflag:s0] =	ssyncset.done @!p0 $0x0  }
0x27e: {  	[sflag:s0] =	ssyncadd.s32 @!p0 s1  }
0x27f: {  	[bflag:$0x3] =	sbarrier.arrive $0xFFFF  }
0x280: {  	_ =	shalt  }

</sc_bundles>
